<compile_context>
chip_gen: v7x
topology: tpu7x:2x2x1
jax: 0.10.2.dev20260603
libtpu: 0.0.44.dev20260713+nightly
codegen_flags: <defaults>
</compile_context>

<pallas_src>
import functools

import jax
import jax.numpy as jnp
from jax import lax
from jax.experimental import pallas as pl
from jax.experimental.pallas import tpu as pltpu
from jax.experimental.pallas import tpu_sc as plsc

_B, _S, _DIM = 16, 576, 256
_K = 2 ** 13
_N = _B * _S
_T = 512
_KC = 1024
_NT = _N // _T
_NK = _K // _KC

_INTERPRET = False


def _argmin_body(x_ref, sxh_ref, e3_ref, seh3_ref, ind_ref, loss_ref, acc_ref):
    t = pl.program_id(0)
    xb = x_ref[...]
    sxh = sxh_ref[...]
    lane = lax.broadcasted_iota(jnp.int32, (1, 128), 1).astype(jnp.float32)
    runmax = jnp.full((_T, 128), -jnp.inf, jnp.float32)
    runidx = jnp.zeros((_T, 128), jnp.float32)
    for c in range(_NK):
        eb = e3_ref[c]
        m = lax.dot_general(xb, eb, (((1,), (1,)), ((), ())),
                            preferred_element_type=jnp.float32,
                            precision=lax.Precision.DEFAULT)
        h = m - (sxh + seh3_ref[c])
        for c2 in range(_KC // 128):
            hc = h[:, c2 * 128:(c2 + 1) * 128]
            kvec = lane + jnp.float32(c * _KC + c2 * 128)
            upd = hc > runmax
            runidx = jnp.where(upd, kvec, runidx)
            runmax = jnp.where(upd, hc, runmax)
    rmax = jnp.max(runmax, axis=1, keepdims=True)
    ridx = jnp.min(jnp.where(runmax == rmax, runidx, jnp.float32(2 ** 30)),
                   axis=1, keepdims=True)
    ind_ref[...] = ridx.astype(jnp.int32)

    @pl.when(t == 0)
    def _():
        acc_ref[0, 0] = 0.0

    acc_ref[0, 0] = acc_ref[0, 0] + jnp.sum(rmax)

    @pl.when(t == _NT - 1)
    def _():
        val = acc_ref[0, 0] * (-2.0 / (_N * _DIM))
        loss_ref[...] = jnp.broadcast_to(val, (1, 1))


def _argmin_call(x2, sxh, e3, seh3):
    return pl.pallas_call(
        _argmin_body,
        grid=(_NT,),
        in_specs=[
            pl.BlockSpec((_T, _DIM), lambda t: (t, 0)),
            pl.BlockSpec((_T, 1), lambda t: (t, 0)),
            pl.BlockSpec((_NK, _KC, _DIM), lambda t: (0, 0, 0)),
            pl.BlockSpec((_NK, 1, _KC), lambda t: (0, 0, 0)),
        ],
        out_specs=[
            pl.BlockSpec((_T, 1), lambda t: (t, 0)),
            pl.BlockSpec((1, 1), lambda t: (0, 0)),
        ],
        out_shape=[
            jax.ShapeDtypeStruct((_N, 1), jnp.int32),
            jax.ShapeDtypeStruct((1, 1), jnp.float32),
        ],
        scratch_shapes=[
            pltpu.SMEM((1, 1), jnp.float32),
        ],
        interpret=_INTERPRET,
    )(x2, sxh, e3, seh3)



_NW = 32
_RPW = _N // _NW
_CH = 96
_NCH = _RPW // _CH


def _gather_body(table_hbm, idx_hbm, out_hbm, idx_v, rows_v, sem):
    wid = lax.axis_index("s") * 2 + lax.axis_index("c")
    pltpu.sync_copy(idx_hbm.at[wid], idx_v)
    copies = []
    for c in range(_NCH):
        cp = pltpu.make_async_copy(
            table_hbm.at[idx_v.at[c]],
            rows_v.at[pl.ds(c * _CH, _CH)],
            sem,
        )
        cp.start()
        copies.append(cp)
    for cp in copies:
        cp.wait()
    pltpu.sync_copy(rows_v, out_hbm.at[pl.ds(wid * _RPW, _RPW)])


def _gather_call(embed, idx2):
    mesh = plsc.VectorSubcoreMesh(core_axis_name="c", subcore_axis_name="s")
    return pl.kernel(
        _gather_body,
        out_type=jax.ShapeDtypeStruct((_N, _DIM), jnp.float32),
        mesh=mesh,
        scratch_types=[
            pltpu.VMEM((_NCH, _CH), jnp.int32),
            pltpu.VMEM((_RPW, _DIM), jnp.float32),
            pltpu.SemaphoreType.DMA,
        ],
        interpret=_INTERPRET,
    )(embed, idx2)


def kernel(x, embed):
    x2 = x.reshape(_N, _DIM)
    sxh = (jnp.sum(x ** 2, axis=-1) * 0.5).reshape(_N, 1)
    seh3 = (jnp.sum(embed ** 2, axis=-1) * 0.5).reshape(_NK, 1, _KC)
    e3 = embed.reshape(_NK, _KC, _DIM)

    ind, loss = _argmin_call(x2, sxh, e3, seh3)

    idx2 = ind.reshape(_NW, _NCH, _CH)
    qx = _gather_call(embed, idx2)

    out = qx.reshape(_B, _S, _DIM)
    loss_s = loss.reshape(())
    return (out, loss_s, loss_s)

# --- scband reference (transcript-rebuilt; emitter-appended) ---
"""Pipeline reference for scband-vq-71614284694105 (READ-ONLY COPY).

The authoritative reference and input builder live on the scoring server;
editing this copy changes nothing except your own understanding.
"""

import jax, jax.numpy as jnp
import numpy as np

B, S, DIM = 16, 576, 256
K = 2 ** 13

def setup_inputs(seed: int = 0) -> dict:
    key = jax.random.key(seed)
    k1, k2 = jax.random.split(key)
    x = jax.random.normal(k1, (B, S, DIM), dtype=jnp.float32)
    embed = jax.random.normal(k2, (K, DIM), dtype=jnp.float32)
    return {"x": x, "embed": embed}

def reference(x, embed):
    # dist[b,s,k] = ||x[b,s]||^2 + ||embed[k]||^2 - 2 <x[b,s], embed[k]>
    dist = jnp.sum(x ** 2, axis=-1)[..., None]
    dist = dist + jnp.sum(embed ** 2, axis=-1)[None, None, :]
    dist = dist - 2.0 * (x @ embed.T)
    ind = jnp.argmin(dist, axis=-1)
    qx = jnp.take(embed, ind, axis=0)  # embedding lookup / gather
    # dist helper: mean squared error over last dim
    loss1 = jnp.mean(jnp.mean((qx - jax.lax.stop_gradient(x)) ** 2, axis=-1))
    loss2 = jnp.mean(jnp.mean((jax.lax.stop_gradient(qx) - x) ** 2, axis=-1))
    out = jax.lax.stop_gradient(qx - x) + x  # straight-through estimator
    return (out, loss1, loss2)

if __name__ == "__main__":
    import jax
    _d = setup_inputs()
    print(jax.jit(kernel)(*tuple(_d.values())))

</pallas_src>

<mosaic_0001>
#map = affine_map<(d0, d1) -> (0, 0)>
#map1 = affine_map<(d0, d1) -> (0, 0, 0)>
module attributes {stable_mosaic.version = 14 : i64} {
  func.func @_gather_body(%arg0: i32, %arg1: i32, %arg2: memref<8192x256xf32, #tpu.memory_space<hbm>>, %arg3: memref<32x3x96xi32, #tpu.memory_space<hbm>>, %arg4: memref<9216x256xf32, #tpu.memory_space<hbm>>, %arg5: memref<3x96xi32, #tpu.memory_space<vmem>>, %arg6: memref<288x256xf32, #tpu.memory_space<vmem>>, %arg7: memref<!tpu.dma_semaphore, #tpu.memory_space<semaphore_mem>>) attributes {dimension_semantics = [#tpu.dimension_semantics<core_parallel>, #tpu.dimension_semantics<subcore_parallel>], iteration_bounds = array<i64: 2, 16>, scalar_prefetch = 0 : i64, scratch_operands = 3 : i64, tpu.core_type = #tpu.core_type<sc_vector_subcore>, window_params = [{transform_indices = #map}, {transform_indices = #map1}, {transform_indices = #map}]} {
    %mul3A = arith.constant 2 : i32
    %mul3A_0 = arith.muli %arg1, %mul3A : i32
    %add3A = arith.addi %mul3A_0, %arg0 : i32
    "tpu.region"() ({
      %run_scoped3A = tpu.sem_alloc : memref<!tpu.dma_semaphore, #tpu.memory_space<semaphore_mem>>
      %dma_start3A_61 = arith.constant 0 : i32
      %dma_start3A_62 = arith.constant 0 : i32
      %dma_start3A_63 = tpu.memref_slice %arg3[%add3A, %dma_start3A_61, %dma_start3A_62] : memref<32x3x96xi32, #tpu.memory_space<hbm>> -> memref<1x3x96xi32, #tpu.memory_space<hbm>>
      %dma_start3A_64 = tpu.memref_squeeze %dma_start3A_63 : memref<1x3x96xi32, #tpu.memory_space<hbm>> -> memref<3x96xi32, #tpu.memory_space<hbm>>
      %dma_start3A_65 = arith.constant 0 : i32
      %dma_start3A_66 = arith.constant 0 : i32
      %dma_start3A_67 = tpu.memref_slice %arg3[%add3A, %dma_start3A_65, %dma_start3A_66] : memref<32x3x96xi32, #tpu.memory_space<hbm>> -> memref<1x3x96xi32, #tpu.memory_space<hbm>>
      %dma_start3A_68 = tpu.memref_squeeze %dma_start3A_67 : memref<1x3x96xi32, #tpu.memory_space<hbm>> -> memref<3x96xi32, #tpu.memory_space<hbm>>
      tpu.enqueue_dma source(%dma_start3A_68 : memref<3x96xi32, #tpu.memory_space<hbm>>) target(%arg5 : memref<3x96xi32, #tpu.memory_space<vmem>>) target_semaphore(%run_scoped3A : memref<!tpu.dma_semaphore, #tpu.memory_space<semaphore_mem>>)
      %dma_wait3A_69 = arith.constant 0 : i32
      %dma_wait3A_70 = arith.constant 0 : i32
      %dma_wait3A_71 = tpu.memref_slice %arg3[%add3A, %dma_wait3A_69, %dma_wait3A_70] : memref<32x3x96xi32, #tpu.memory_space<hbm>> -> memref<1x3x96xi32, #tpu.memory_space<hbm>>
      %dma_wait3A_72 = tpu.memref_squeeze %dma_wait3A_71 : memref<1x3x96xi32, #tpu.memory_space<hbm>> -> memref<3x96xi32, #tpu.memory_space<hbm>>
      %dma_wait3A_73 = arith.constant 0 : i32
      %dma_wait3A_74 = arith.constant 0 : i32
      %dma_wait3A_75 = tpu.memref_slice %arg3[%add3A, %dma_wait3A_73, %dma_wait3A_74] : memref<32x3x96xi32, #tpu.memory_space<hbm>> -> memref<1x3x96xi32, #tpu.memory_space<hbm>>
      %dma_wait3A_76 = tpu.memref_squeeze %dma_wait3A_75 : memref<1x3x96xi32, #tpu.memory_space<hbm>> -> memref<3x96xi32, #tpu.memory_space<hbm>>
      tpu.wait_dma2 semaphore(%run_scoped3A : memref<!tpu.dma_semaphore, #tpu.memory_space<semaphore_mem>>) src(%dma_wait3A_76 : memref<3x96xi32, #tpu.memory_space<hbm>>) dst(%arg5 : memref<3x96xi32, #tpu.memory_space<vmem>>)
      tpu.yield
    }) : () -> ()
    %dma_start3A = arith.constant 0 : i32
    %dma_start3A_1 = arith.constant 0 : i32
    %dma_start3A_2 = arith.constant 0 : i32
    %dma_start3A_3 = tpu.memref_slice %arg6[%dma_start3A_1, %dma_start3A_2] : memref<288x256xf32, #tpu.memory_space<vmem>> -> memref<96x256xf32, #tpu.memory_space<vmem>>
    %dma_start3A_4 = arith.constant 0 : i32
    %dma_start3A_5 = tpu.memref_slice %arg5[%dma_start3A, %dma_start3A_4] : memref<3x96xi32, #tpu.memory_space<vmem>> -> memref<1x96xi32, #tpu.memory_space<vmem>>
    %dma_start3A_6 = tpu.memref_squeeze %dma_start3A_5 : memref<1x96xi32, #tpu.memory_space<vmem>> -> memref<96xi32, #tpu.memory_space<vmem>>
    %dma_start3A_7 = arith.constant 0 : i32
    %dma_start3A_8 = arith.constant 0 : i32
    %dma_start3A_9 = tpu.memref_slice %arg2[%dma_start3A_7, %dma_start3A_8] : memref<8192x256xf32, #tpu.memory_space<hbm>> -> memref<8192x256xf32, #tpu.memory_space<hbm>>
    tpu.enqueue_indirect_dma source(%dma_start3A_9 : memref<8192x256xf32, #tpu.memory_space<hbm>>) target(%dma_start3A_3 : memref<96x256xf32, #tpu.memory_space<vmem>>) offsets(%dma_start3A_6 : memref<96xi32, #tpu.memory_space<vmem>>) semaphore(%arg7 : memref<!tpu.dma_semaphore, #tpu.memory_space<semaphore_mem>>)
    %dma_start3A_10 = arith.constant 1 : i32
    %dma_start3A_11 = arith.constant 96 : i32
    %dma_start3A_12 = arith.constant 0 : i32
    %dma_start3A_13 = tpu.memref_slice %arg6[%dma_start3A_11, %dma_start3A_12] : memref<288x256xf32, #tpu.memory_space<vmem>> -> memref<96x256xf32, #tpu.memory_space<vmem>>
    %dma_start3A_14 = arith.constant 0 : i32
    %dma_start3A_15 = tpu.memref_slice %arg5[%dma_start3A_10, %dma_start3A_14] : memref<3x96xi32, #tpu.memory_space<vmem>> -> memref<1x96xi32, #tpu.memory_space<vmem>>
    %dma_start3A_16 = tpu.memref_squeeze %dma_start3A_15 : memref<1x96xi32, #tpu.memory_space<vmem>> -> memref<96xi32, #tpu.memory_space<vmem>>
    %dma_start3A_17 = arith.constant 0 : i32
    %dma_start3A_18 = arith.constant 0 : i32
    %dma_start3A_19 = tpu.memref_slice %arg2[%dma_start3A_17, %dma_start3A_18] : memref<8192x256xf32, #tpu.memory_space<hbm>> -> memref<8192x256xf32, #tpu.memory_space<hbm>>
    tpu.enqueue_indirect_dma source(%dma_start3A_19 : memref<8192x256xf32, #tpu.memory_space<hbm>>) target(%dma_start3A_13 : memref<96x256xf32, #tpu.memory_space<vmem>>) offsets(%dma_start3A_16 : memref<96xi32, #tpu.memory_space<vmem>>) semaphore(%arg7 : memref<!tpu.dma_semaphore, #tpu.memory_space<semaphore_mem>>)
    %dma_start3A_20 = arith.constant 2 : i32
    %dma_start3A_21 = arith.constant 192 : i32
    %dma_start3A_22 = arith.constant 0 : i32
    %dma_start3A_23 = tpu.memref_slice %arg6[%dma_start3A_21, %dma_start3A_22] : memref<288x256xf32, #tpu.memory_space<vmem>> -> memref<96x256xf32, #tpu.memory_space<vmem>>
    %dma_start3A_24 = arith.constant 0 : i32
    %dma_start3A_25 = tpu.memref_slice %arg5[%dma_start3A_20, %dma_start3A_24] : memref<3x96xi32, #tpu.memory_space<vmem>> -> memref<1x96xi32, #tpu.memory_space<vmem>>
    %dma_start3A_26 = tpu.memref_squeeze %dma_start3A_25 : memref<1x96xi32, #tpu.memory_space<vmem>> -> memref<96xi32, #tpu.memory_space<vmem>>
    %dma_start3A_27 = arith.constant 0 : i32
    %dma_start3A_28 = arith.constant 0 : i32
    %dma_start3A_29 = tpu.memref_slice %arg2[%dma_start3A_27, %dma_start3A_28] : memref<8192x256xf32, #tpu.memory_space<hbm>> -> memref<8192x256xf32, #tpu.memory_space<hbm>>
    tpu.enqueue_indirect_dma source(%dma_start3A_29 : memref<8192x256xf32, #tpu.memory_space<hbm>>) target(%dma_start3A_23 : memref<96x256xf32, #tpu.memory_space<vmem>>) offsets(%dma_start3A_26 : memref<96xi32, #tpu.memory_space<vmem>>) semaphore(%arg7 : memref<!tpu.dma_semaphore, #tpu.memory_space<semaphore_mem>>)
    %dma_wait3A = arith.constant 0 : i32
    %dma_wait3A_30 = arith.constant 0 : i32
    %dma_wait3A_31 = arith.constant 0 : i32
    %dma_wait3A_32 = tpu.memref_slice %arg6[%dma_wait3A_30, %dma_wait3A_31] : memref<288x256xf32, #tpu.memory_space<vmem>> -> memref<96x256xf32, #tpu.memory_space<vmem>>
    %dma_wait3A_33 = arith.constant 0 : i32
    %dma_wait3A_34 = tpu.memref_slice %arg5[%dma_wait3A, %dma_wait3A_33] : memref<3x96xi32, #tpu.memory_space<vmem>> -> memref<1x96xi32, #tpu.memory_space<vmem>>
    %dma_wait3A_35 = tpu.memref_squeeze %dma_wait3A_34 : memref<1x96xi32, #tpu.memory_space<vmem>> -> memref<96xi32, #tpu.memory_space<vmem>>
    %dma_wait3A_36 = arith.constant 0 : i32
    %dma_wait3A_37 = arith.constant 0 : i32
    %dma_wait3A_38 = tpu.memref_slice %arg2[%dma_wait3A_36, %dma_wait3A_37] : memref<8192x256xf32, #tpu.memory_space<hbm>> -> memref<8192x256xf32, #tpu.memory_space<hbm>>
    tpu.wait_indirect_dma semaphore(%arg7 : memref<!tpu.dma_semaphore, #tpu.memory_space<semaphore_mem>>) src(%dma_wait3A_38 : memref<8192x256xf32, #tpu.memory_space<hbm>>) dst(%dma_wait3A_32 : memref<96x256xf32, #tpu.memory_space<vmem>>)
    %dma_wait3A_39 = arith.constant 1 : i32
    %dma_wait3A_40 = arith.constant 96 : i32
    %dma_wait3A_41 = arith.constant 0 : i32
    %dma_wait3A_42 = tpu.memref_slice %arg6[%dma_wait3A_40, %dma_wait3A_41] : memref<288x256xf32, #tpu.memory_space<vmem>> -> memref<96x256xf32, #tpu.memory_space<vmem>>
    %dma_wait3A_43 = arith.constant 0 : i32
    %dma_wait3A_44 = tpu.memref_slice %arg5[%dma_wait3A_39, %dma_wait3A_43] : memref<3x96xi32, #tpu.memory_space<vmem>> -> memref<1x96xi32, #tpu.memory_space<vmem>>
    %dma_wait3A_45 = tpu.memref_squeeze %dma_wait3A_44 : memref<1x96xi32, #tpu.memory_space<vmem>> -> memref<96xi32, #tpu.memory_space<vmem>>
    %dma_wait3A_46 = arith.constant 0 : i32
    %dma_wait3A_47 = arith.constant 0 : i32
    %dma_wait3A_48 = tpu.memref_slice %arg2[%dma_wait3A_46, %dma_wait3A_47] : memref<8192x256xf32, #tpu.memory_space<hbm>> -> memref<8192x256xf32, #tpu.memory_space<hbm>>
    tpu.wait_indirect_dma semaphore(%arg7 : memref<!tpu.dma_semaphore, #tpu.memory_space<semaphore_mem>>) src(%dma_wait3A_48 : memref<8192x256xf32, #tpu.memory_space<hbm>>) dst(%dma_wait3A_42 : memref<96x256xf32, #tpu.memory_space<vmem>>)
    %dma_wait3A_49 = arith.constant 2 : i32
    %dma_wait3A_50 = arith.constant 192 : i32
    %dma_wait3A_51 = arith.constant 0 : i32
    %dma_wait3A_52 = tpu.memref_slice %arg6[%dma_wait3A_50, %dma_wait3A_51] : memref<288x256xf32, #tpu.memory_space<vmem>> -> memref<96x256xf32, #tpu.memory_space<vmem>>
    %dma_wait3A_53 = arith.constant 0 : i32
    %dma_wait3A_54 = tpu.memref_slice %arg5[%dma_wait3A_49, %dma_wait3A_53] : memref<3x96xi32, #tpu.memory_space<vmem>> -> memref<1x96xi32, #tpu.memory_space<vmem>>
    %dma_wait3A_55 = tpu.memref_squeeze %dma_wait3A_54 : memref<1x96xi32, #tpu.memory_space<vmem>> -> memref<96xi32, #tpu.memory_space<vmem>>
    %dma_wait3A_56 = arith.constant 0 : i32
    %dma_wait3A_57 = arith.constant 0 : i32
    %dma_wait3A_58 = tpu.memref_slice %arg2[%dma_wait3A_56, %dma_wait3A_57] : memref<8192x256xf32, #tpu.memory_space<hbm>> -> memref<8192x256xf32, #tpu.memory_space<hbm>>
    tpu.wait_indirect_dma semaphore(%arg7 : memref<!tpu.dma_semaphore, #tpu.memory_space<semaphore_mem>>) src(%dma_wait3A_58 : memref<8192x256xf32, #tpu.memory_space<hbm>>) dst(%dma_wait3A_52 : memref<96x256xf32, #tpu.memory_space<vmem>>)
    %mul3A_59 = arith.constant 288 : i32
    %mul3A_60 = arith.muli %add3A, %mul3A_59 : i32
    "tpu.region"() ({
      %run_scoped3A = tpu.sem_alloc : memref<!tpu.dma_semaphore, #tpu.memory_space<semaphore_mem>>
      %dma_start3A_61 = arith.constant 0 : i32
      %dma_start3A_62 = tpu.memref_slice %arg4[%mul3A_60, %dma_start3A_61] : memref<9216x256xf32, #tpu.memory_space<hbm>> -> memref<288x256xf32, #tpu.memory_space<hbm>>
      %dma_start3A_63 = arith.constant 0 : i32
      %dma_start3A_64 = tpu.memref_slice %arg4[%mul3A_60, %dma_start3A_63] : memref<9216x256xf32, #tpu.memory_space<hbm>> -> memref<288x256xf32, #tpu.memory_space<hbm>>
      tpu.enqueue_dma source(%arg6 : memref<288x256xf32, #tpu.memory_space<vmem>>) target(%dma_start3A_64 : memref<288x256xf32, #tpu.memory_space<hbm>>) target_semaphore(%run_scoped3A : memref<!tpu.dma_semaphore, #tpu.memory_space<semaphore_mem>>)
      %dma_wait3A_65 = arith.constant 0 : i32
      %dma_wait3A_66 = tpu.memref_slice %arg4[%mul3A_60, %dma_wait3A_65] : memref<9216x256xf32, #tpu.memory_space<hbm>> -> memref<288x256xf32, #tpu.memory_space<hbm>>
      %dma_wait3A_67 = arith.constant 0 : i32
      %dma_wait3A_68 = tpu.memref_slice %arg4[%mul3A_60, %dma_wait3A_67] : memref<9216x256xf32, #tpu.memory_space<hbm>> -> memref<288x256xf32, #tpu.memory_space<hbm>>
      tpu.wait_dma2 semaphore(%run_scoped3A : memref<!tpu.dma_semaphore, #tpu.memory_space<semaphore_mem>>) src(%arg6 : memref<288x256xf32, #tpu.memory_space<vmem>>) dst(%dma_wait3A_68 : memref<288x256xf32, #tpu.memory_space<hbm>>)
      tpu.yield
    }) : () -> ()
    return
  }
}

module attributes {stable_mosaic.version = 14 : i64} {
  func.func @_argmin_body(%arg0: i32, %arg1: memref<512x256xf32, #tpu.memory_space<vmem>>, %arg2: memref<512x1xf32, #tpu.memory_space<vmem>>, %arg3: memref<8x1024x256xf32, #tpu.memory_space<vmem>>, %arg4: memref<8x1x1024xf32, #tpu.memory_space<vmem>>, %arg5: memref<512x1xi32, #tpu.memory_space<vmem>>, %arg6: memref<1x1xf32, #tpu.memory_space<vmem>>, %arg7: memref<1x1xf32, #tpu.memory_space<smem>>) attributes {dimension_semantics = [#tpu.dimension_semantics<arbitrary>], iteration_bounds = array<i64: 18>, scalar_prefetch = 0 : i64, scratch_operands = 1 : i64, tpu.core_type = #tpu.core_type<tc>, window_params = [{transform_indices = @transform_0, window_bounds = array<i64: 512, 256>}, {transform_indices = @transform_1, window_bounds = array<i64: 512, 1>}, {pipeline_mode = #tpu.pipeline_mode<synchronous>, transform_indices = @transform_2, window_bounds = array<i64: 8, 1024, 256>}, {pipeline_mode = #tpu.pipeline_mode<synchronous>, transform_indices = @transform_3, window_bounds = array<i64: 8, 1, 1024>}, {transform_indices = @transform_4, window_bounds = array<i64: 512, 1>}, {pipeline_mode = #tpu.pipeline_mode<synchronous>, transform_indices = @transform_5, window_bounds = array<i64: 1, 1>}]} {
    %get3A = arith.constant 0 : index
    %get3A_0 = arith.constant 0 : index
    %get3A_1 = vector.load %arg1[%get3A, %get3A_0] : memref<512x256xf32, #tpu.memory_space<vmem>>, vector<512x256xf32>
    %get3A_2 = arith.constant 0 : index
    %get3A_3 = arith.constant 0 : index
    %get3A_4 = vector.load %arg2[%get3A_2, %get3A_3] : memref<512x1xf32, #tpu.memory_space<vmem>>, vector<512x1xf32>
    %iota3A = tpu.iota {dimensions = array<i32: 1>} : vector<1x128xi32>
    %convert_element_type3A = arith.sitofp %iota3A : vector<1x128xi32> to vector<1x128xf32>
    %broadcast_in_dim3A = arith.constant 0xFF800000 : f32
    %broadcast_in_dim3A_5 = vector.broadcast %broadcast_in_dim3A : f32 to vector<512x128xf32>
    %broadcast_in_dim3A_6 = arith.constant 0.000000e+00 : f32
    %broadcast_in_dim3A_7 = vector.broadcast %broadcast_in_dim3A_6 : f32 to vector<512x128xf32>
    %get3A_8 = arith.constant 0 : index
    %get3A_9 = arith.constant 0 : index
    %get3A_10 = arith.constant 0 : index
    %get3A_11 = vector.load %arg3[%get3A_8, %get3A_9, %get3A_10] : memref<8x1024x256xf32, #tpu.memory_space<vmem>>, vector<1x1024x256xf32>
    %get3A_12 = vector.shape_cast %get3A_11 : vector<1x1024x256xf32> to vector<1024x256xf32>
    %dot_general3A = arith.constant dense<0.000000e+00> : vector<512x1024xf32>
    %dot_general3A_13 = tpu.matmul %get3A_1, %get3A_12, %dot_general3A {dimension_numbers = #tpu.dot_dimension_numbers<[1], [1], [0], [0], [0, 0, 1, 0], [], []>, transpose_lhs_hint = false} : vector<512x256xf32>, vector<1024x256xf32>, vector<512x1024xf32> -> vector<512x1024xf32>
    %get3A_14 = arith.constant 0 : index
    %get3A_15 = arith.constant 0 : index
    %get3A_16 = arith.constant 0 : index
    %get3A_17 = vector.load %arg4[%get3A_14, %get3A_15, %get3A_16] : memref<8x1x1024xf32, #tpu.memory_space<vmem>>, vector<1x1x1024xf32>
    %get3A_18 = vector.shape_cast %get3A_17 : vector<1x1x1024xf32> to vector<1x1024xf32>
    %add3A = vector.broadcast %get3A_4 : vector<512x1xf32> to vector<512x1024xf32>
    %add3A_19 = vector.broadcast %get3A_18 : vector<1x1024xf32> to vector<512x1024xf32>
    %add3A_20 = arith.addf %add3A, %add3A_19 : vector<512x1024xf32>
    %sub3A = arith.subf %dot_general3A_13, %add3A_20 : vector<512x1024xf32>
    %slice3A = vector.extract_strided_slice %sub3A {offsets = [0, 0], sizes = [512, 128], strides = [1, 1]} : vector<512x1024xf32> to vector<512x128xf32>
    %add3A_21 = arith.constant 0.000000e+00 : f32
    %add3A_22 = vector.broadcast %add3A_21 : f32 to vector<1x128xf32>
    %add3A_23 = arith.addf %convert_element_type3A, %add3A_22 : vector<1x128xf32>
    %gt3A = arith.cmpf ogt, %slice3A, %broadcast_in_dim3A_5 : vector<512x128xf32>
    %broadcast_in_dim3A_24 = vector.shape_cast %add3A_23 : vector<1x128xf32> to vector<1x128xf32>
    %broadcast_in_dim3A_25 = vector.broadcast %broadcast_in_dim3A_24 : vector<1x128xf32> to vector<512x128xf32>
    %select_n3A = arith.select %gt3A, %broadcast_in_dim3A_25, %broadcast_in_dim3A_7 : vector<512x128xi1>, vector<512x128xf32>
    %select_n3A_26 = arith.select %gt3A, %slice3A, %broadcast_in_dim3A_5 : vector<512x128xi1>, vector<512x128xf32>
    %slice3A_27 = vector.extract_strided_slice %sub3A {offsets = [0, 128], sizes = [512, 128], strides = [1, 1]} : vector<512x1024xf32> to vector<512x128xf32>
    %add3A_28 = arith.constant 1.280000e+02 : f32
    %add3A_29 = vector.broadcast %add3A_28 : f32 to vector<1x128xf32>
    %add3A_30 = arith.addf %convert_element_type3A, %add3A_29 : vector<1x128xf32>
    %gt3A_31 = arith.cmpf ogt, %slice3A_27, %select_n3A_26 : vector<512x128xf32>
    %broadcast_in_dim3A_32 = vector.shape_cast %add3A_30 : vector<1x128xf32> to vector<1x128xf32>
    %broadcast_in_dim3A_33 = vector.broadcast %broadcast_in_dim3A_32 : vector<1x128xf32> to vector<512x128xf32>
    %select_n3A_34 = arith.select %gt3A_31, %broadcast_in_dim3A_33, %select_n3A : vector<512x128xi1>, vector<512x128xf32>
    %select_n3A_35 = arith.select %gt3A_31, %slice3A_27, %select_n3A_26 : vector<512x128xi1>, vector<512x128xf32>
    %slice3A_36 = vector.extract_strided_slice %sub3A {offsets = [0, 256], sizes = [512, 128], strides = [1, 1]} : vector<512x1024xf32> to vector<512x128xf32>
    %add3A_37 = arith.constant 2.560000e+02 : f32
    %add3A_38 = vector.broadcast %add3A_37 : f32 to vector<1x128xf32>
    %add3A_39 = arith.addf %convert_element_type3A, %add3A_38 : vector<1x128xf32>
    %gt3A_40 = arith.cmpf ogt, %slice3A_36, %select_n3A_35 : vector<512x128xf32>
    %broadcast_in_dim3A_41 = vector.shape_cast %add3A_39 : vector<1x128xf32> to vector<1x128xf32>
    %broadcast_in_dim3A_42 = vector.broadcast %broadcast_in_dim3A_41 : vector<1x128xf32> to vector<512x128xf32>
    %select_n3A_43 = arith.select %gt3A_40, %broadcast_in_dim3A_42, %select_n3A_34 : vector<512x128xi1>, vector<512x128xf32>
    %select_n3A_44 = arith.select %gt3A_40, %slice3A_36, %select_n3A_35 : vector<512x128xi1>, vector<512x128xf32>
    %slice3A_45 = vector.extract_strided_slice %sub3A {offsets = [0, 384], sizes = [512, 128], strides = [1, 1]} : vector<512x1024xf32> to vector<512x128xf32>
    %add3A_46 = arith.constant 3.840000e+02 : f32
    %add3A_47 = vector.broadcast %add3A_46 : f32 to vector<1x128xf32>
    %add3A_48 = arith.addf %convert_element_type3A, %add3A_47 : vector<1x128xf32>
    %gt3A_49 = arith.cmpf ogt, %slice3A_45, %select_n3A_44 : vector<512x128xf32>
    %broadcast_in_dim3A_50 = vector.shape_cast %add3A_48 : vector<1x128xf32> to vector<1x128xf32>
    %broadcast_in_dim3A_51 = vector.broadcast %broadcast_in_dim3A_50 : vector<1x128xf32> to vector<512x128xf32>
    %select_n3A_52 = arith.select %gt3A_49, %broadcast_in_dim3A_51, %select_n3A_43 : vector<512x128xi1>, vector<512x128xf32>
    %select_n3A_53 = arith.select %gt3A_49, %slice3A_45, %select_n3A_44 : vector<512x128xi1>, vector<512x128xf32>
    %slice3A_54 = vector.extract_strided_slice %sub3A {offsets = [0, 512], sizes = [512, 128], strides = [1, 1]} : vector<512x1024xf32> to vector<512x128xf32>
    %add3A_55 = arith.constant 5.120000e+02 : f32
    %add3A_56 = vector.broadcast %add3A_55 : f32 to vector<1x128xf32>
    %add3A_57 = arith.addf %convert_element_type3A, %add3A_56 : vector<1x128xf32>
    %gt3A_58 = arith.cmpf ogt, %slice3A_54, %select_n3A_53 : vector<512x128xf32>
    %broadcast_in_dim3A_59 = vector.shape_cast %add3A_57 : vector<1x128xf32> to vector<1x128xf32>
    %broadcast_in_dim3A_60 = vector.broadcast %broadcast_in_dim3A_59 : vector<1x128xf32> to vector<512x128xf32>
    %select_n3A_61 = arith.select %gt3A_58, %broadcast_in_dim3A_60, %select_n3A_52 : vector<512x128xi1>, vector<512x128xf32>
    %select_n3A_62 = arith.select %gt3A_58, %slice3A_54, %select_n3A_53 : vector<512x128xi1>, vector<512x128xf32>
    %slice3A_63 = vector.extract_strided_slice %sub3A {offsets = [0, 640], sizes = [512, 128], strides = [1, 1]} : vector<512x1024xf32> to vector<512x128xf32>
    %add3A_64 = arith.constant 6.400000e+02 : f32
    %add3A_65 = vector.broadcast %add3A_64 : f32 to vector<1x128xf32>
    %add3A_66 = arith.addf %convert_element_type3A, %add3A_65 : vector<1x128xf32>
    %gt3A_67 = arith.cmpf ogt, %slice3A_63, %select_n3A_62 : vector<512x128xf32>
    %broadcast_in_dim3A_68 = vector.shape_cast %add3A_66 : vector<1x128xf32> to vector<1x128xf32>
    %broadcast_in_dim3A_69 = vector.broadcast %broadcast_in_dim3A_68 : vector<1x128xf32> to vector<512x128xf32>
    %select_n3A_70 = arith.select %gt3A_67, %broadcast_in_dim3A_69, %select_n3A_61 : vector<512x128xi1>, vector<512x128xf32>
    %select_n3A_71 = arith.select %gt3A_67, %slice3A_63, %select_n3A_62 : vector<512x128xi1>, vector<512x128xf32>
    %slice3A_72 = vector.extract_strided_slice %sub3A {offsets = [0, 768], sizes = [512, 128], strides = [1, 1]} : vector<512x1024xf32> to vector<512x128xf32>
    %add3A_73 = arith.constant 7.680000e+02 : f32
    %add3A_74 = vector.broadcast %add3A_73 : f32 to vector<1x128xf32>
    %add3A_75 = arith.addf %convert_element_type3A, %add3A_74 : vector<1x128xf32>
    %gt3A_76 = arith.cmpf ogt, %slice3A_72, %select_n3A_71 : vector<512x128xf32>
    %broadcast_in_dim3A_77 = vector.shape_cast %add3A_75 : vector<1x128xf32> to vector<1x128xf32>
    %broadcast_in_dim3A_78 = vector.broadcast %broadcast_in_dim3A_77 : vector<1x128xf32> to vector<512x128xf32>
    %select_n3A_79 = arith.select %gt3A_76, %broadcast_in_dim3A_78, %select_n3A_70 : vector<512x128xi1>, vector<512x128xf32>
    %select_n3A_80 = arith.select %gt3A_76, %slice3A_72, %select_n3A_71 : vector<512x128xi1>, vector<512x128xf32>
    %slice3A_81 = vector.extract_strided_slice %sub3A {offsets = [0, 896], sizes = [512, 128], strides = [1, 1]} : vector<512x1024xf32> to vector<512x128xf32>
    %add3A_82 = arith.constant 8.960000e+02 : f32
    %add3A_83 = vector.broadcast %add3A_82 : f32 to vector<1x128xf32>
    %add3A_84 = arith.addf %convert_element_type3A, %add3A_83 : vector<1x128xf32>
    %gt3A_85 = arith.cmpf ogt, %slice3A_81, %select_n3A_80 : vector<512x128xf32>
    %broadcast_in_dim3A_86 = vector.shape_cast %add3A_84 : vector<1x128xf32> to vector<1x128xf32>
    %broadcast_in_dim3A_87 = vector.broadcast %broadcast_in_dim3A_86 : vector<1x128xf32> to vector<512x128xf32>
    %select_n3A_88 = arith.select %gt3A_85, %broadcast_in_dim3A_87, %select_n3A_79 : vector<512x128xi1>, vector<512x128xf32>
    %select_n3A_89 = arith.select %gt3A_85, %slice3A_81, %select_n3A_80 : vector<512x128xi1>, vector<512x128xf32>
    %get3A_90 = arith.constant 1 : index
    %get3A_91 = arith.constant 0 : index
    %get3A_92 = arith.constant 0 : index
    %get3A_93 = vector.load %arg3[%get3A_90, %get3A_91, %get3A_92] : memref<8x1024x256xf32, #tpu.memory_space<vmem>>, vector<1x1024x256xf32>
    %get3A_94 = vector.shape_cast %get3A_93 : vector<1x1024x256xf32> to vector<1024x256xf32>
    %dot_general3A_95 = arith.constant dense<0.000000e+00> : vector<512x1024xf32>
    %dot_general3A_96 = tpu.matmul %get3A_1, %get3A_94, %dot_general3A_95 {dimension_numbers = #tpu.dot_dimension_numbers<[1], [1], [0], [0], [0, 0, 1, 0], [], []>, transpose_lhs_hint = false} : vector<512x256xf32>, vector<1024x256xf32>, vector<512x1024xf32> -> vector<512x1024xf32>
    %get3A_97 = arith.constant 1 : index
    %get3A_98 = arith.constant 0 : index
    %get3A_99 = arith.constant 0 : index
    %get3A_100 = vector.load %arg4[%get3A_97, %get3A_98, %get3A_99] : memref<8x1x1024xf32, #tpu.memory_space<vmem>>, vector<1x1x1024xf32>
    %get3A_101 = vector.shape_cast %get3A_100 : vector<1x1x1024xf32> to vector<1x1024xf32>
    %add3A_102 = vector.broadcast %get3A_4 : vector<512x1xf32> to vector<512x1024xf32>
    %add3A_103 = vector.broadcast %get3A_101 : vector<1x1024xf32> to vector<512x1024xf32>
    %add3A_104 = arith.addf %add3A_102, %add3A_103 : vector<512x1024xf32>
    %sub3A_105 = arith.subf %dot_general3A_96, %add3A_104 : vector<512x1024xf32>
    %slice3A_106 = vector.extract_strided_slice %sub3A_105 {offsets = [0, 0], sizes = [512, 128], strides = [1, 1]} : vector<512x1024xf32> to vector<512x128xf32>
    %add3A_107 = arith.constant 1.024000e+03 : f32
    %add3A_108 = vector.broadcast %add3A_107 : f32 to vector<1x128xf32>
    %add3A_109 = arith.addf %convert_element_type3A, %add3A_108 : vector<1x128xf32>
    %gt3A_110 = arith.cmpf ogt, %slice3A_106, %select_n3A_89 : vector<512x128xf32>
    %broadcast_in_dim3A_111 = vector.shape_cast %add3A_109 : vector<1x128xf32> to vector<1x128xf32>
    %broadcast_in_dim3A_112 = vector.broadcast %broadcast_in_dim3A_111 : vector<1x128xf32> to vector<512x128xf32>
    %select_n3A_113 = arith.select %gt3A_110, %broadcast_in_dim3A_112, %select_n3A_88 : vector<512x128xi1>, vector<512x128xf32>
    %select_n3A_114 = arith.select %gt3A_110, %slice3A_106, %select_n3A_89 : vector<512x128xi1>, vector<512x128xf32>
    %slice3A_115 = vector.extract_strided_slice %sub3A_105 {offsets = [0, 128], sizes = [512, 128], strides = [1, 1]} : vector<512x1024xf32> to vector<512x128xf32>
    %add3A_116 = arith.constant 1.152000e+03 : f32
    %add3A_117 = vector.broadcast %add3A_116 : f32 to vector<1x128xf32>
    %add3A_118 = arith.addf %convert_element_type3A, %add3A_117 : vector<1x128xf32>
    %gt3A_119 = arith.cmpf ogt, %slice3A_115, %select_n3A_114 : vector<512x128xf32>
    %broadcast_in_dim3A_120 = vector.shape_cast %add3A_118 : vector<1x128xf32> to vector<1x128xf32>
    %broadcast_in_dim3A_121 = vector.broadcast %broadcast_in_dim3A_120 : vector<1x128xf32> to vector<512x128xf32>
    %select_n3A_122 = arith.select %gt3A_119, %broadcast_in_dim3A_121, %select_n3A_113 : vector<512x128xi1>, vector<512x128xf32>
    %select_n3A_123 = arith.select %gt3A_119, %slice3A_115, %select_n3A_114 : vector<512x128xi1>, vector<512x128xf32>
    %slice3A_124 = vector.extract_strided_slice %sub3A_105 {offsets = [0, 256], sizes = [512, 128], strides = [1, 1]} : vector<512x1024xf32> to vector<512x128xf32>
    %add3A_125 = arith.constant 1.280000e+03 : f32
    %add3A_126 = vector.broadcast %add3A_125 : f32 to vector<1x128xf32>
    %add3A_127 = arith.addf %convert_element_type3A, %add3A_126 : vector<1x128xf32>
    %gt3A_128 = arith.cmpf ogt, %slice3A_124, %select_n3A_123 : vector<512x128xf32>
    %broadcast_in_dim3A_129 = vector.shape_cast %add3A_127 : vector<1x128xf32> to vector<1x128xf32>
    %broadcast_in_dim3A_130 = vector.broadcast %broadcast_in_dim3A_129 : vector<1x128xf32> to vector<512x128xf32>
    %select_n3A_131 = arith.select %gt3A_128, %broadcast_in_dim3A_130, %select_n3A_122 : vector<512x128xi1>, vector<512x128xf32>
    %select_n3A_132 = arith.select %gt3A_128, %slice3A_124, %select_n3A_123 : vector<512x128xi1>, vector<512x128xf32>
    %slice3A_133 = vector.extract_strided_slice %sub3A_105 {offsets = [0, 384], sizes = [512, 128], strides = [1, 1]} : vector<512x1024xf32> to vector<512x128xf32>
    %add3A_134 = arith.constant 1.408000e+03 : f32
    %add3A_135 = vector.broadcast %add3A_134 : f32 to vector<1x128xf32>
    %add3A_136 = arith.addf %convert_element_type3A, %add3A_135 : vector<1x128xf32>
    %gt3A_137 = arith.cmpf ogt, %slice3A_133, %select_n3A_132 : vector<512x128xf32>
    %broadcast_in_dim3A_138 = vector.shape_cast %add3A_136 : vector<1x128xf32> to vector<1x128xf32>
    %broadcast_in_dim3A_139 = vector.broadcast %broadcast_in_dim3A_138 : vector<1x128xf32> to vector<512x128xf32>
    %select_n3A_140 = arith.select %gt3A_137, %broadcast_in_dim3A_139, %select_n3A_131 : vector<512x128xi1>, vector<512x128xf32>
    %select_n3A_141 = arith.select %gt3A_137, %slice3A_133, %select_n3A_132 : vector<512x128xi1>, vector<512x128xf32>
    %slice3A_142 = vector.extract_strided_slice %sub3A_105 {offsets = [0, 512], sizes = [512, 128], strides = [1, 1]} : vector<512x1024xf32> to vector<512x128xf32>
    %add3A_143 = arith.constant 1.536000e+03 : f32
    %add3A_144 = vector.broadcast %add3A_143 : f32 to vector<1x128xf32>
    %add3A_145 = arith.addf %convert_element_type3A, %add3A_144 : vector<1x128xf32>
    %gt3A_146 = arith.cmpf ogt, %slice3A_142, %select_n3A_141 : vector<512x128xf32>
    %broadcast_in_dim3A_147 = vector.shape_cast %add3A_145 : vector<1x128xf32> to vector<1x128xf32>
    %broadcast_in_dim3A_148 = vector.broadcast %broadcast_in_dim3A_147 : vector<1x128xf32> to vector<512x128xf32>
    %select_n3A_149 = arith.select %gt3A_146, %broadcast_in_dim3A_148, %select_n3A_140 : vector<512x128xi1>, vector<512x128xf32>
    %select_n3A_150 = arith.select %gt3A_146, %slice3A_142, %select_n3A_141 : vector<512x128xi1>, vector<512x128xf32>
    %slice3A_151 = vector.extract_strided_slice %sub3A_105 {offsets = [0, 640], sizes = [512, 128], strides = [1, 1]} : vector<512x1024xf32> to vector<512x128xf32>
    %add3A_152 = arith.constant 1.664000e+03 : f32
    %add3A_153 = vector.broadcast %add3A_152 : f32 to vector<1x128xf32>
    %add3A_154 = arith.addf %convert_element_type3A, %add3A_153 : vector<1x128xf32>
    %gt3A_155 = arith.cmpf ogt, %slice3A_151, %select_n3A_150 : vector<512x128xf32>
    %broadcast_in_dim3A_156 = vector.shape_cast %add3A_154 : vector<1x128xf32> to vector<1x128xf32>
    %broadcast_in_dim3A_157 = vector.broadcast %broadcast_in_dim3A_156 : vector<1x128xf32> to vector<512x128xf32>
    %select_n3A_158 = arith.select %gt3A_155, %broadcast_in_dim3A_157, %select_n3A_149 : vector<512x128xi1>, vector<512x128xf32>
    %select_n3A_159 = arith.select %gt3A_155, %slice3A_151, %select_n3A_150 : vector<512x128xi1>, vector<512x128xf32>
    %slice3A_160 = vector.extract_strided_slice %sub3A_105 {offsets = [0, 768], sizes = [512, 128], strides = [1, 1]} : vector<512x1024xf32> to vector<512x128xf32>
    %add3A_161 = arith.constant 1.792000e+03 : f32
    %add3A_162 = vector.broadcast %add3A_161 : f32 to vector<1x128xf32>
    %add3A_163 = arith.addf %convert_element_type3A, %add3A_162 : vector<1x128xf32>
    %gt3A_164 = arith.cmpf ogt, %slice3A_160, %select_n3A_159 : vector<512x128xf32>
    %broadcast_in_dim3A_165 = vector.shape_cast %add3A_163 : vector<1x128xf32> to vector<1x128xf32>
    %broadcast_in_dim3A_166 = vector.broadcast %broadcast_in_dim3A_165 : vector<1x128xf32> to vector<512x128xf32>
    %select_n3A_167 = arith.select %gt3A_164, %broadcast_in_dim3A_166, %select_n3A_158 : vector<512x128xi1>, vector<512x128xf32>
    %select_n3A_168 = arith.select %gt3A_164, %slice3A_160, %select_n3A_159 : vector<512x128xi1>, vector<512x128xf32>
    %slice3A_169 = vector.extract_strided_slice %sub3A_105 {offsets = [0, 896], sizes = [512, 128], strides = [1, 1]} : vector<512x1024xf32> to vector<512x128xf32>
    %add3A_170 = arith.constant 1.920000e+03 : f32
    %add3A_171 = vector.broadcast %add3A_170 : f32 to vector<1x128xf32>
    %add3A_172 = arith.addf %convert_element_type3A, %add3A_171 : vector<1x128xf32>
    %gt3A_173 = arith.cmpf ogt, %slice3A_169, %select_n3A_168 : vector<512x128xf32>
    %broadcast_in_dim3A_174 = vector.shape_cast %add3A_172 : vector<1x128xf32> to vector<1x128xf32>
    %broadcast_in_dim3A_175 = vector.broadcast %broadcast_in_dim3A_174 : vector<1x128xf32> to vector<512x128xf32>
    %select_n3A_176 = arith.select %gt3A_173, %broadcast_in_dim3A_175, %select_n3A_167 : vector<512x128xi1>, vector<512x128xf32>
    %select_n3A_177 = arith.select %gt3A_173, %slice3A_169, %select_n3A_168 : vector<512x128xi1>, vector<512x128xf32>
    %get3A_178 = arith.constant 2 : index
    %get3A_179 = arith.constant 0 : index
    %get3A_180 = arith.constant 0 : index
    %get3A_181 = vector.load %arg3[%get3A_178, %get3A_179, %get3A_180] : memref<8x1024x256xf32, #tpu.memory_space<vmem>>, vector<1x1024x256xf32>
    %get3A_182 = vector.shape_cast %get3A_181 : vector<1x1024x256xf32> to vector<1024x256xf32>
    %dot_general3A_183 = arith.constant dense<0.000000e+00> : vector<512x1024xf32>
    %dot_general3A_184 = tpu.matmul %get3A_1, %get3A_182, %dot_general3A_183 {dimension_numbers = #tpu.dot_dimension_numbers<[1], [1], [0], [0], [0, 0, 1, 0], [], []>, transpose_lhs_hint = false} : vector<512x256xf32>, vector<1024x256xf32>, vector<512x1024xf32> -> vector<512x1024xf32>
    %get3A_185 = arith.constant 2 : index
    %get3A_186 = arith.constant 0 : index
    %get3A_187 = arith.constant 0 : index
    %get3A_188 = vector.load %arg4[%get3A_185, %get3A_186, %get3A_187] : memref<8x1x1024xf32, #tpu.memory_space<vmem>>, vector<1x1x1024xf32>
    %get3A_189 = vector.shape_cast %get3A_188 : vector<1x1x1024xf32> to vector<1x1024xf32>
    %add3A_190 = vector.broadcast %get3A_4 : vector<512x1xf32> to vector<512x1024xf32>
    %add3A_191 = vector.broadcast %get3A_189 : vector<1x1024xf32> to vector<512x1024xf32>
    %add3A_192 = arith.addf %add3A_190, %add3A_191 : vector<512x1024xf32>
    %sub3A_193 = arith.subf %dot_general3A_184, %add3A_192 : vector<512x1024xf32>
    %slice3A_194 = vector.extract_strided_slice %sub3A_193 {offsets = [0, 0], sizes = [512, 128], strides = [1, 1]} : vector<512x1024xf32> to vector<512x128xf32>
    %add3A_195 = arith.constant 2.048000e+03 : f32
    %add3A_196 = vector.broadcast %add3A_195 : f32 to vector<1x128xf32>
    %add3A_197 = arith.addf %convert_element_type3A, %add3A_196 : vector<1x128xf32>
    %gt3A_198 = arith.cmpf ogt, %slice3A_194, %select_n3A_177 : vector<512x128xf32>
    %broadcast_in_dim3A_199 = vector.shape_cast %add3A_197 : vector<1x128xf32> to vector<1x128xf32>
    %broadcast_in_dim3A_200 = vector.broadcast %broadcast_in_dim3A_199 : vector<1x128xf32> to vector<512x128xf32>
    %select_n3A_201 = arith.select %gt3A_198, %broadcast_in_dim3A_200, %select_n3A_176 : vector<512x128xi1>, vector<512x128xf32>
    %select_n3A_202 = arith.select %gt3A_198, %slice3A_194, %select_n3A_177 : vector<512x128xi1>, vector<512x128xf32>
    %slice3A_203 = vector.extract_strided_slice %sub3A_193 {offsets = [0, 128], sizes = [512, 128], strides = [1, 1]} : vector<512x1024xf32> to vector<512x128xf32>
    %add3A_204 = arith.constant 2.176000e+03 : f32
    %add3A_205 = vector.broadcast %add3A_204 : f32 to vector<1x128xf32>
    %add3A_206 = arith.addf %convert_element_type3A, %add3A_205 : vector<1x128xf32>
    %gt3A_207 = arith.cmpf ogt, %slice3A_203, %select_n3A_202 : vector<512x128xf32>
    %broadcast_in_dim3A_208 = vector.shape_cast %add3A_206 : vector<1x128xf32> to vector<1x128xf32>
    %broadcast_in_dim3A_209 = vector.broadcast %broadcast_in_dim3A_208 : vector<1x128xf32> to vector<512x128xf32>
    %select_n3A_210 = arith.select %gt3A_207, %broadcast_in_dim3A_209, %select_n3A_201 : vector<512x128xi1>, vector<512x128xf32>
    %select_n3A_211 = arith.select %gt3A_207, %slice3A_203, %select_n3A_202 : vector<512x128xi1>, vector<512x128xf32>
    %slice3A_212 = vector.extract_strided_slice %sub3A_193 {offsets = [0, 256], sizes = [512, 128], strides = [1, 1]} : vector<512x1024xf32> to vector<512x128xf32>
    %add3A_213 = arith.constant 2.304000e+03 : f32
    %add3A_214 = vector.broadcast %add3A_213 : f32 to vector<1x128xf32>
    %add3A_215 = arith.addf %convert_element_type3A, %add3A_214 : vector<1x128xf32>
    %gt3A_216 = arith.cmpf ogt, %slice3A_212, %select_n3A_211 : vector<512x128xf32>
    %broadcast_in_dim3A_217 = vector.shape_cast %add3A_215 : vector<1x128xf32> to vector<1x128xf32>
    %broadcast_in_dim3A_218 = vector.broadcast %broadcast_in_dim3A_217 : vector<1x128xf32> to vector<512x128xf32>
    %select_n3A_219 = arith.select %gt3A_216, %broadcast_in_dim3A_218, %select_n3A_210 : vector<512x128xi1>, vector<512x128xf32>
    %select_n3A_220 = arith.select %gt3A_216, %slice3A_212, %select_n3A_211 : vector<512x128xi1>, vector<512x128xf32>
    %slice3A_221 = vector.extract_strided_slice %sub3A_193 {offsets = [0, 384], sizes = [512, 128], strides = [1, 1]} : vector<512x1024xf32> to vector<512x128xf32>
    %add3A_222 = arith.constant 2.432000e+03 : f32
    %add3A_223 = vector.broadcast %add3A_222 : f32 to vector<1x128xf32>
    %add3A_224 = arith.addf %convert_element_type3A, %add3A_223 : vector<1x128xf32>
    %gt3A_225 = arith.cmpf ogt, %slice3A_221, %select_n3A_220 : vector<512x128xf32>
    %broadcast_in_dim3A_226 = vector.shape_cast %add3A_224 : vector<1x128xf32> to vector<1x128xf32>
    %broadcast_in_dim3A_227 = vector.broadcast %broadcast_in_dim3A_226 : vector<1x128xf32> to vector<512x128xf32>
    %select_n3A_228 = arith.select %gt3A_225, %broadcast_in_dim3A_227, %select_n3A_219 : vector<512x128xi1>, vector<512x128xf32>
    %select_n3A_229 = arith.select %gt3A_225, %slice3A_221, %select_n3A_220 : vector<512x128xi1>, vector<512x128xf32>
    %slice3A_230 = vector.extract_strided_slice %sub3A_193 {offsets = [0, 512], sizes = [512, 128], strides = [1, 1]} : vector<512x1024xf32> to vector<512x128xf32>
    %add3A_231 = arith.constant 2.560000e+03 : f32
    %add3A_232 = vector.broadcast %add3A_231 : f32 to vector<1x128xf32>
    %add3A_233 = arith.addf %convert_element_type3A, %add3A_232 : vector<1x128xf32>
    %gt3A_234 = arith.cmpf ogt, %slice3A_230, %select_n3A_229 : vector<512x128xf32>
    %broadcast_in_dim3A_235 = vector.shape_cast %add3A_233 : vector<1x128xf32> to vector<1x128xf32>
    %broadcast_in_dim3A_236 = vector.broadcast %broadcast_in_dim3A_235 : vector<1x128xf32> to vector<512x128xf32>
    %select_n3A_237 = arith.select %gt3A_234, %broadcast_in_dim3A_236, %select_n3A_228 : vector<512x128xi1>, vector<512x128xf32>
    %select_n3A_238 = arith.select %gt3A_234, %slice3A_230, %select_n3A_229 : vector<512x128xi1>, vector<512x128xf32>
    %slice3A_239 = vector.extract_strided_slice %sub3A_193 {offsets = [0, 640], sizes = [512, 128], strides = [1, 1]} : vector<512x1024xf32> to vector<512x128xf32>
    %add3A_240 = arith.constant 2.688000e+03 : f32
    %add3A_241 = vector.broadcast %add3A_240 : f32 to vector<1x128xf32>
    %add3A_242 = arith.addf %convert_element_type3A, %add3A_241 : vector<1x128xf32>
    %gt3A_243 = arith.cmpf ogt, %slice3A_239, %select_n3A_238 : vector<512x128xf32>
    %broadcast_in_dim3A_244 = vector.shape_cast %add3A_242 : vector<1x128xf32> to vector<1x128xf32>
    %broadcast_in_dim3A_245 = vector.broadcast %broadcast_in_dim3A_244 : vector<1x128xf32> to vector<512x128xf32>
    %select_n3A_246 = arith.select %gt3A_243, %broadcast_in_dim3A_245, %select_n3A_237 : vector<512x128xi1>, vector<512x128xf32>
    %select_n3A_247 = arith.select %gt3A_243, %slice3A_239, %select_n3A_238 : vector<512x128xi1>, vector<512x128xf32>
    %slice3A_248 = vector.extract_strided_slice %sub3A_193 {offsets = [0, 768], sizes = [512, 128], strides = [1, 1]} : vector<512x1024xf32> to vector<512x128xf32>
    %add3A_249 = arith.constant 2.816000e+03 : f32
    %add3A_250 = vector.broadcast %add3A_249 : f32 to vector<1x128xf32>
    %add3A_251 = arith.addf %convert_element_type3A, %add3A_250 : vector<1x128xf32>
    %gt3A_252 = arith.cmpf ogt, %slice3A_248, %select_n3A_247 : vector<512x128xf32>
    %broadcast_in_dim3A_253 = vector.shape_cast %add3A_251 : vector<1x128xf32> to vector<1x128xf32>
    %broadcast_in_dim3A_254 = vector.broadcast %broadcast_in_dim3A_253 : vector<1x128xf32> to vector<512x128xf32>
    %select_n3A_255 = arith.select %gt3A_252, %broadcast_in_dim3A_254, %select_n3A_246 : vector<512x128xi1>, vector<512x128xf32>
    %select_n3A_256 = arith.select %gt3A_252, %slice3A_248, %select_n3A_247 : vector<512x128xi1>, vector<512x128xf32>
    %slice3A_257 = vector.extract_strided_slice %sub3A_193 {offsets = [0, 896], sizes = [512, 128], strides = [1, 1]} : vector<512x1024xf32> to vector<512x128xf32>
    %add3A_258 = arith.constant 2.944000e+03 : f32
    %add3A_259 = vector.broadcast %add3A_258 : f32 to vector<1x128xf32>
    %add3A_260 = arith.addf %convert_element_type3A, %add3A_259 : vector<1x128xf32>
    %gt3A_261 = arith.cmpf ogt, %slice3A_257, %select_n3A_256 : vector<512x128xf32>
    %broadcast_in_dim3A_262 = vector.shape_cast %add3A_260 : vector<1x128xf32> to vector<1x128xf32>
    %broadcast_in_dim3A_263 = vector.broadcast %broadcast_in_dim3A_262 : vector<1x128xf32> to vector<512x128xf32>
    %select_n3A_264 = arith.select %gt3A_261, %broadcast_in_dim3A_263, %select_n3A_255 : vector<512x128xi1>, vector<512x128xf32>
    %select_n3A_265 = arith.select %gt3A_261, %slice3A_257, %select_n3A_256 : vector<512x128xi1>, vector<512x128xf32>
    %get3A_266 = arith.constant 3 : index
    %get3A_267 = arith.constant 0 : index
    %get3A_268 = arith.constant 0 : index
    %get3A_269 = vector.load %arg3[%get3A_266, %get3A_267, %get3A_268] : memref<8x1024x256xf32, #tpu.memory_space<vmem>>, vector<1x1024x256xf32>
    %get3A_270 = vector.shape_cast %get3A_269 : vector<1x1024x256xf32> to vector<1024x256xf32>
    %dot_general3A_271 = arith.constant dense<0.000000e+00> : vector<512x1024xf32>
    %dot_general3A_272 = tpu.matmul %get3A_1, %get3A_270, %dot_general3A_271 {dimension_numbers = #tpu.dot_dimension_numbers<[1], [1], [0], [0], [0, 0, 1, 0], [], []>, transpose_lhs_hint = false} : vector<512x256xf32>, vector<1024x256xf32>, vector<512x1024xf32> -> vector<512x1024xf32>
    %get3A_273 = arith.constant 3 : index
    %get3A_274 = arith.constant 0 : index
    %get3A_275 = arith.constant 0 : index
    %get3A_276 = vector.load %arg4[%get3A_273, %get3A_274, %get3A_275] : memref<8x1x1024xf32, #tpu.memory_space<vmem>>, vector<1x1x1024xf32>
    %get3A_277 = vector.shape_cast %get3A_276 : vector<1x1x1024xf32> to vector<1x1024xf32>
    %add3A_278 = vector.broadcast %get3A_4 : vector<512x1xf32> to vector<512x1024xf32>
    %add3A_279 = vector.broadcast %get3A_277 : vector<1x1024xf32> to vector<512x1024xf32>
    %add3A_280 = arith.addf %add3A_278, %add3A_279 : vector<512x1024xf32>
    %sub3A_281 = arith.subf %dot_general3A_272, %add3A_280 : vector<512x1024xf32>
    %slice3A_282 = vector.extract_strided_slice %sub3A_281 {offsets = [0, 0], sizes = [512, 128], strides = [1, 1]} : vector<512x1024xf32> to vector<512x128xf32>
    %add3A_283 = arith.constant 3.072000e+03 : f32
    %add3A_284 = vector.broadcast %add3A_283 : f32 to vector<1x128xf32>
    %add3A_285 = arith.addf %convert_element_type3A, %add3A_284 : vector<1x128xf32>
    %gt3A_286 = arith.cmpf ogt, %slice3A_282, %select_n3A_265 : vector<512x128xf32>
    %broadcast_in_dim3A_287 = vector.shape_cast %add3A_285 : vector<1x128xf32> to vector<1x128xf32>
    %broadcast_in_dim3A_288 = vector.broadcast %broadcast_in_dim3A_287 : vector<1x128xf32> to vector<512x128xf32>
    %select_n3A_289 = arith.select %gt3A_286, %broadcast_in_dim3A_288, %select_n3A_264 : vector<512x128xi1>, vector<512x128xf32>
    %select_n3A_290 = arith.select %gt3A_286, %slice3A_282, %select_n3A_265 : vector<512x128xi1>, vector<512x128xf32>
    %slice3A_291 = vector.extract_strided_slice %sub3A_281 {offsets = [0, 128], sizes = [512, 128], strides = [1, 1]} : vector<512x1024xf32> to vector<512x128xf32>
    %add3A_292 = arith.constant 3.200000e+03 : f32
    %add3A_293 = vector.broadcast %add3A_292 : f32 to vector<1x128xf32>
    %add3A_294 = arith.addf %convert_element_type3A, %add3A_293 : vector<1x128xf32>
    %gt3A_295 = arith.cmpf ogt, %slice3A_291, %select_n3A_290 : vector<512x128xf32>
    %broadcast_in_dim3A_296 = vector.shape_cast %add3A_294 : vector<1x128xf32> to vector<1x128xf32>
    %broadcast_in_dim3A_297 = vector.broadcast %broadcast_in_dim3A_296 : vector<1x128xf32> to vector<512x128xf32>
    %select_n3A_298 = arith.select %gt3A_295, %broadcast_in_dim3A_297, %select_n3A_289 : vector<512x128xi1>, vector<512x128xf32>
    %select_n3A_299 = arith.select %gt3A_295, %slice3A_291, %select_n3A_290 : vector<512x128xi1>, vector<512x128xf32>
    %slice3A_300 = vector.extract_strided_slice %sub3A_281 {offsets = [0, 256], sizes = [512, 128], strides = [1, 1]} : vector<512x1024xf32> to vector<512x128xf32>
    %add3A_301 = arith.constant 3.328000e+03 : f32
    %add3A_302 = vector.broadcast %add3A_301 : f32 to vector<1x128xf32>
    %add3A_303 = arith.addf %convert_element_type3A, %add3A_302 : vector<1x128xf32>
    %gt3A_304 = arith.cmpf ogt, %slice3A_300, %select_n3A_299 : vector<512x128xf32>
    %broadcast_in_dim3A_305 = vector.shape_cast %add3A_303 : vector<1x128xf32> to vector<1x128xf32>
    %broadcast_in_dim3A_306 = vector.broadcast %broadcast_in_dim3A_305 : vector<1x128xf32> to vector<512x128xf32>
    %select_n3A_307 = arith.select %gt3A_304, %broadcast_in_dim3A_306, %select_n3A_298 : vector<512x128xi1>, vector<512x128xf32>
    %select_n3A_308 = arith.select %gt3A_304, %slice3A_300, %select_n3A_299 : vector<512x128xi1>, vector<512x128xf32>
    %slice3A_309 = vector.extract_strided_slice %sub3A_281 {offsets = [0, 384], sizes = [512, 128], strides = [1, 1]} : vector<512x1024xf32> to vector<512x128xf32>
    %add3A_310 = arith.constant 3.456000e+03 : f32
    %add3A_311 = vector.broadcast %add3A_310 : f32 to vector<1x128xf32>
    %add3A_312 = arith.addf %convert_element_type3A, %add3A_311 : vector<1x128xf32>
    %gt3A_313 = arith.cmpf ogt, %slice3A_309, %select_n3A_308 : vector<512x128xf32>
    %broadcast_in_dim3A_314 = vector.shape_cast %add3A_312 : vector<1x128xf32> to vector<1x128xf32>
    %broadcast_in_dim3A_315 = vector.broadcast %broadcast_in_dim3A_314 : vector<1x128xf32> to vector<512x128xf32>
    %select_n3A_316 = arith.select %gt3A_313, %broadcast_in_dim3A_315, %select_n3A_307 : vector<512x128xi1>, vector<512x128xf32>
    %select_n3A_317 = arith.select %gt3A_313, %slice3A_309, %select_n3A_308 : vector<512x128xi1>, vector<512x128xf32>
    %slice3A_318 = vector.extract_strided_slice %sub3A_281 {offsets = [0, 512], sizes = [512, 128], strides = [1, 1]} : vector<512x1024xf32> to vector<512x128xf32>
    %add3A_319 = arith.constant 3.584000e+03 : f32
    %add3A_320 = vector.broadcast %add3A_319 : f32 to vector<1x128xf32>
    %add3A_321 = arith.addf %convert_element_type3A, %add3A_320 : vector<1x128xf32>
    %gt3A_322 = arith.cmpf ogt, %slice3A_318, %select_n3A_317 : vector<512x128xf32>
    %broadcast_in_dim3A_323 = vector.shape_cast %add3A_321 : vector<1x128xf32> to vector<1x128xf32>
    %broadcast_in_dim3A_324 = vector.broadcast %broadcast_in_dim3A_323 : vector<1x128xf32> to vector<512x128xf32>
    %select_n3A_325 = arith.select %gt3A_322, %broadcast_in_dim3A_324, %select_n3A_316 : vector<512x128xi1>, vector<512x128xf32>
    %select_n3A_326 = arith.select %gt3A_322, %slice3A_318, %select_n3A_317 : vector<512x128xi1>, vector<512x128xf32>
    %slice3A_327 = vector.extract_strided_slice %sub3A_281 {offsets = [0, 640], sizes = [512, 128], strides = [1, 1]} : vector<512x1024xf32> to vector<512x128xf32>
    %add3A_328 = arith.constant 3.712000e+03 : f32
    %add3A_329 = vector.broadcast %add3A_328 : f32 to vector<1x128xf32>
    %add3A_330 = arith.addf %convert_element_type3A, %add3A_329 : vector<1x128xf32>
    %gt3A_331 = arith.cmpf ogt, %slice3A_327, %select_n3A_326 : vector<512x128xf32>
    %broadcast_in_dim3A_332 = vector.shape_cast %add3A_330 : vector<1x128xf32> to vector<1x128xf32>
    %broadcast_in_dim3A_333 = vector.broadcast %broadcast_in_dim3A_332 : vector<1x128xf32> to vector<512x128xf32>
    %select_n3A_334 = arith.select %gt3A_331, %broadcast_in_dim3A_333, %select_n3A_325 : vector<512x128xi1>, vector<512x128xf32>
    %select_n3A_335 = arith.select %gt3A_331, %slice3A_327, %select_n3A_326 : vector<512x128xi1>, vector<512x128xf32>
    %slice3A_336 = vector.extract_strided_slice %sub3A_281 {offsets = [0, 768], sizes = [512, 128], strides = [1, 1]} : vector<512x1024xf32> to vector<512x128xf32>
    %add3A_337 = arith.constant 3.840000e+03 : f32
    %add3A_338 = vector.broadcast %add3A_337 : f32 to vector<1x128xf32>
    %add3A_339 = arith.addf %convert_element_type3A, %add3A_338 : vector<1x128xf32>
    %gt3A_340 = arith.cmpf ogt, %slice3A_336, %select_n3A_335 : vector<512x128xf32>
    %broadcast_in_dim3A_341 = vector.shape_cast %add3A_339 : vector<1x128xf32> to vector<1x128xf32>
    %broadcast_in_dim3A_342 = vector.broadcast %broadcast_in_dim3A_341 : vector<1x128xf32> to vector<512x128xf32>
    %select_n3A_343 = arith.select %gt3A_340, %broadcast_in_dim3A_342, %select_n3A_334 : vector<512x128xi1>, vector<512x128xf32>
    %select_n3A_344 = arith.select %gt3A_340, %slice3A_336, %select_n3A_335 : vector<512x128xi1>, vector<512x128xf32>
    %slice3A_345 = vector.extract_strided_slice %sub3A_281 {offsets = [0, 896], sizes = [512, 128], strides = [1, 1]} : vector<512x1024xf32> to vector<512x128xf32>
    %add3A_346 = arith.constant 3.968000e+03 : f32
    %add3A_347 = vector.broadcast %add3A_346 : f32 to vector<1x128xf32>
    %add3A_348 = arith.addf %convert_element_type3A, %add3A_347 : vector<1x128xf32>
    %gt3A_349 = arith.cmpf ogt, %slice3A_345, %select_n3A_344 : vector<512x128xf32>
    %broadcast_in_dim3A_350 = vector.shape_cast %add3A_348 : vector<1x128xf32> to vector<1x128xf32>
    %broadcast_in_dim3A_351 = vector.broadcast %broadcast_in_dim3A_350 : vector<1x128xf32> to vector<512x128xf32>
    %select_n3A_352 = arith.select %gt3A_349, %broadcast_in_dim3A_351, %select_n3A_343 : vector<512x128xi1>, vector<512x128xf32>
    %select_n3A_353 = arith.select %gt3A_349, %slice3A_345, %select_n3A_344 : vector<512x128xi1>, vector<512x128xf32>
    %get3A_354 = arith.constant 4 : index
    %get3A_355 = arith.constant 0 : index
    %get3A_356 = arith.constant 0 : index
    %get3A_357 = vector.load %arg3[%get3A_354, %get3A_355, %get3A_356] : memref<8x1024x256xf32, #tpu.memory_space<vmem>>, vector<1x1024x256xf32>
    %get3A_358 = vector.shape_cast %get3A_357 : vector<1x1024x256xf32> to vector<1024x256xf32>
    %dot_general3A_359 = arith.constant dense<0.000000e+00> : vector<512x1024xf32>
    %dot_general3A_360 = tpu.matmul %get3A_1, %get3A_358, %dot_general3A_359 {dimension_numbers = #tpu.dot_dimension_numbers<[1], [1], [0], [0], [0, 0, 1, 0], [], []>, transpose_lhs_hint = false} : vector<512x256xf32>, vector<1024x256xf32>, vector<512x1024xf32> -> vector<512x1024xf32>
    %get3A_361 = arith.constant 4 : index
    %get3A_362 = arith.constant 0 : index
    %get3A_363 = arith.constant 0 : index
    %get3A_364 = vector.load %arg4[%get3A_361, %get3A_362, %get3A_363] : memref<8x1x1024xf32, #tpu.memory_space<vmem>>, vector<1x1x1024xf32>
    %get3A_365 = vector.shape_cast %get3A_364 : vector<1x1x1024xf32> to vector<1x1024xf32>
    %add3A_366 = vector.broadcast %get3A_4 : vector<512x1xf32> to vector<512x1024xf32>
    %add3A_367 = vector.broadcast %get3A_365 : vector<1x1024xf32> to vector<512x1024xf32>
    %add3A_368 = arith.addf %add3A_366, %add3A_367 : vector<512x1024xf32>
    %sub3A_369 = arith.subf %dot_general3A_360, %add3A_368 : vector<512x1024xf32>
    %slice3A_370 = vector.extract_strided_slice %sub3A_369 {offsets = [0, 0], sizes = [512, 128], strides = [1, 1]} : vector<512x1024xf32> to vector<512x128xf32>
    %add3A_371 = arith.constant 4.096000e+03 : f32
    %add3A_372 = vector.broadcast %add3A_371 : f32 to vector<1x128xf32>
    %add3A_373 = arith.addf %convert_element_type3A, %add3A_372 : vector<1x128xf32>
    %gt3A_374 = arith.cmpf ogt, %slice3A_370, %select_n3A_353 : vector<512x128xf32>
    %broadcast_in_dim3A_375 = vector.shape_cast %add3A_373 : vector<1x128xf32> to vector<1x128xf32>
    %broadcast_in_dim3A_376 = vector.broadcast %broadcast_in_dim3A_375 : vector<1x128xf32> to vector<512x128xf32>
    %select_n3A_377 = arith.select %gt3A_374, %broadcast_in_dim3A_376, %select_n3A_352 : vector<512x128xi1>, vector<512x128xf32>
    %select_n3A_378 = arith.select %gt3A_374, %slice3A_370, %select_n3A_353 : vector<512x128xi1>, vector<512x128xf32>
    %slice3A_379 = vector.extract_strided_slice %sub3A_369 {offsets = [0, 128], sizes = [512, 128], strides = [1, 1]} : vector<512x1024xf32> to vector<512x128xf32>
    %add3A_380 = arith.constant 4.224000e+03 : f32
    %add3A_381 = vector.broadcast %add3A_380 : f32 to vector<1x128xf32>
    %add3A_382 = arith.addf %convert_element_type3A, %add3A_381 : vector<1x128xf32>
    %gt3A_383 = arith.cmpf ogt, %slice3A_379, %select_n3A_378 : vector<512x128xf32>
    %broadcast_in_dim3A_384 = vector.shape_cast %add3A_382 : vector<1x128xf32> to vector<1x128xf32>
    %broadcast_in_dim3A_385 = vector.broadcast %broadcast_in_dim3A_384 : vector<1x128xf32> to vector<512x128xf32>
    %select_n3A_386 = arith.select %gt3A_383, %broadcast_in_dim3A_385, %select_n3A_377 : vector<512x128xi1>, vector<512x128xf32>
    %select_n3A_387 = arith.select %gt3A_383, %slice3A_379, %select_n3A_378 : vector<512x128xi1>, vector<512x128xf32>
    %slice3A_388 = vector.extract_strided_slice %sub3A_369 {offsets = [0, 256], sizes = [512, 128], strides = [1, 1]} : vector<512x1024xf32> to vector<512x128xf32>
    %add3A_389 = arith.constant 4.352000e+03 : f32
    %add3A_390 = vector.broadcast %add3A_389 : f32 to vector<1x128xf32>
    %add3A_391 = arith.addf %convert_element_type3A, %add3A_390 : vector<1x128xf32>
    %gt3A_392 = arith.cmpf ogt, %slice3A_388, %select_n3A_387 : vector<512x128xf32>
    %broadcast_in_dim3A_393 = vector.shape_cast %add3A_391 : vector<1x128xf32> to vector<1x128xf32>
    %broadcast_in_dim3A_394 = vector.broadcast %broadcast_in_dim3A_393 : vector<1x128xf32> to vector<512x128xf32>
    %select_n3A_395 = arith.select %gt3A_392, %broadcast_in_dim3A_394, %select_n3A_386 : vector<512x128xi1>, vector<512x128xf32>
    %select_n3A_396 = arith.select %gt3A_392, %slice3A_388, %select_n3A_387 : vector<512x128xi1>, vector<512x128xf32>
    %slice3A_397 = vector.extract_strided_slice %sub3A_369 {offsets = [0, 384], sizes = [512, 128], strides = [1, 1]} : vector<512x1024xf32> to vector<512x128xf32>
    %add3A_398 = arith.constant 4.480000e+03 : f32
    %add3A_399 = vector.broadcast %add3A_398 : f32 to vector<1x128xf32>
    %add3A_400 = arith.addf %convert_element_type3A, %add3A_399 : vector<1x128xf32>
    %gt3A_401 = arith.cmpf ogt, %slice3A_397, %select_n3A_396 : vector<512x128xf32>
    %broadcast_in_dim3A_402 = vector.shape_cast %add3A_400 : vector<1x128xf32> to vector<1x128xf32>
    %broadcast_in_dim3A_403 = vector.broadcast %broadcast_in_dim3A_402 : vector<1x128xf32> to vector<512x128xf32>
    %select_n3A_404 = arith.select %gt3A_401, %broadcast_in_dim3A_403, %select_n3A_395 : vector<512x128xi1>, vector<512x128xf32>
    %select_n3A_405 = arith.select %gt3A_401, %slice3A_397, %select_n3A_396 : vector<512x128xi1>, vector<512x128xf32>
    %slice3A_406 = vector.extract_strided_slice %sub3A_369 {offsets = [0, 512], sizes = [512, 128], strides = [1, 1]} : vector<512x1024xf32> to vector<512x128xf32>
    %add3A_407 = arith.constant 4.608000e+03 : f32
    %add3A_408 = vector.broadcast %add3A_407 : f32 to vector<1x128xf32>
    %add3A_409 = arith.addf %convert_element_type3A, %add3A_408 : vector<1x128xf32>
    %gt3A_410 = arith.cmpf ogt, %slice3A_406, %select_n3A_405 : vector<512x128xf32>
    %broadcast_in_dim3A_411 = vector.shape_cast %add3A_409 : vector<1x128xf32> to vector<1x128xf32>
    %broadcast_in_dim3A_412 = vector.broadcast %broadcast_in_dim3A_411 : vector<1x128xf32> to vector<512x128xf32>
    %select_n3A_413 = arith.select %gt3A_410, %broadcast_in_dim3A_412, %select_n3A_404 : vector<512x128xi1>, vector<512x128xf32>
    %select_n3A_414 = arith.select %gt3A_410, %slice3A_406, %select_n3A_405 : vector<512x128xi1>, vector<512x128xf32>
    %slice3A_415 = vector.extract_strided_slice %sub3A_369 {offsets = [0, 640], sizes = [512, 128], strides = [1, 1]} : vector<512x1024xf32> to vector<512x128xf32>
    %add3A_416 = arith.constant 4.736000e+03 : f32
    %add3A_417 = vector.broadcast %add3A_416 : f32 to vector<1x128xf32>
    %add3A_418 = arith.addf %convert_element_type3A, %add3A_417 : vector<1x128xf32>
    %gt3A_419 = arith.cmpf ogt, %slice3A_415, %select_n3A_414 : vector<512x128xf32>
    %broadcast_in_dim3A_420 = vector.shape_cast %add3A_418 : vector<1x128xf32> to vector<1x128xf32>
    %broadcast_in_dim3A_421 = vector.broadcast %broadcast_in_dim3A_420 : vector<1x128xf32> to vector<512x128xf32>
    %select_n3A_422 = arith.select %gt3A_419, %broadcast_in_dim3A_421, %select_n3A_413 : vector<512x128xi1>, vector<512x128xf32>
    %select_n3A_423 = arith.select %gt3A_419, %slice3A_415, %select_n3A_414 : vector<512x128xi1>, vector<512x128xf32>
    %slice3A_424 = vector.extract_strided_slice %sub3A_369 {offsets = [0, 768], sizes = [512, 128], strides = [1, 1]} : vector<512x1024xf32> to vector<512x128xf32>
    %add3A_425 = arith.constant 4.864000e+03 : f32
    %add3A_426 = vector.broadcast %add3A_425 : f32 to vector<1x128xf32>
    %add3A_427 = arith.addf %convert_element_type3A, %add3A_426 : vector<1x128xf32>
    %gt3A_428 = arith.cmpf ogt, %slice3A_424, %select_n3A_423 : vector<512x128xf32>
    %broadcast_in_dim3A_429 = vector.shape_cast %add3A_427 : vector<1x128xf32> to vector<1x128xf32>
    %broadcast_in_dim3A_430 = vector.broadcast %broadcast_in_dim3A_429 : vector<1x128xf32> to vector<512x128xf32>
    %select_n3A_431 = arith.select %gt3A_428, %broadcast_in_dim3A_430, %select_n3A_422 : vector<512x128xi1>, vector<512x128xf32>
    %select_n3A_432 = arith.select %gt3A_428, %slice3A_424, %select_n3A_423 : vector<512x128xi1>, vector<512x128xf32>
    %slice3A_433 = vector.extract_strided_slice %sub3A_369 {offsets = [0, 896], sizes = [512, 128], strides = [1, 1]} : vector<512x1024xf32> to vector<512x128xf32>
    %add3A_434 = arith.constant 4.992000e+03 : f32
    %add3A_435 = vector.broadcast %add3A_434 : f32 to vector<1x128xf32>
    %add3A_436 = arith.addf %convert_element_type3A, %add3A_435 : vector<1x128xf32>
    %gt3A_437 = arith.cmpf ogt, %slice3A_433, %select_n3A_432 : vector<512x128xf32>
    %broadcast_in_dim3A_438 = vector.shape_cast %add3A_436 : vector<1x128xf32> to vector<1x128xf32>
    %broadcast_in_dim3A_439 = vector.broadcast %broadcast_in_dim3A_438 : vector<1x128xf32> to vector<512x128xf32>
    %select_n3A_440 = arith.select %gt3A_437, %broadcast_in_dim3A_439, %select_n3A_431 : vector<512x128xi1>, vector<512x128xf32>
    %select_n3A_441 = arith.select %gt3A_437, %slice3A_433, %select_n3A_432 : vector<512x128xi1>, vector<512x128xf32>
    %get3A_442 = arith.constant 5 : index
    %get3A_443 = arith.constant 0 : index
    %get3A_444 = arith.constant 0 : index
    %get3A_445 = vector.load %arg3[%get3A_442, %get3A_443, %get3A_444] : memref<8x1024x256xf32, #tpu.memory_space<vmem>>, vector<1x1024x256xf32>
    %get3A_446 = vector.shape_cast %get3A_445 : vector<1x1024x256xf32> to vector<1024x256xf32>
    %dot_general3A_447 = arith.constant dense<0.000000e+00> : vector<512x1024xf32>
    %dot_general3A_448 = tpu.matmul %get3A_1, %get3A_446, %dot_general3A_447 {dimension_numbers = #tpu.dot_dimension_numbers<[1], [1], [0], [0], [0, 0, 1, 0], [], []>, transpose_lhs_hint = false} : vector<512x256xf32>, vector<1024x256xf32>, vector<512x1024xf32> -> vector<512x1024xf32>
    %get3A_449 = arith.constant 5 : index
    %get3A_450 = arith.constant 0 : index
    %get3A_451 = arith.constant 0 : index
    %get3A_452 = vector.load %arg4[%get3A_449, %get3A_450, %get3A_451] : memref<8x1x1024xf32, #tpu.memory_space<vmem>>, vector<1x1x1024xf32>
    %get3A_453 = vector.shape_cast %get3A_452 : vector<1x1x1024xf32> to vector<1x1024xf32>
    %add3A_454 = vector.broadcast %get3A_4 : vector<512x1xf32> to vector<512x1024xf32>
    %add3A_455 = vector.broadcast %get3A_453 : vector<1x1024xf32> to vector<512x1024xf32>
    %add3A_456 = arith.addf %add3A_454, %add3A_455 : vector<512x1024xf32>
    %sub3A_457 = arith.subf %dot_general3A_448, %add3A_456 : vector<512x1024xf32>
    %slice3A_458 = vector.extract_strided_slice %sub3A_457 {offsets = [0, 0], sizes = [512, 128], strides = [1, 1]} : vector<512x1024xf32> to vector<512x128xf32>
    %add3A_459 = arith.constant 5.120000e+03 : f32
    %add3A_460 = vector.broadcast %add3A_459 : f32 to vector<1x128xf32>
    %add3A_461 = arith.addf %convert_element_type3A, %add3A_460 : vector<1x128xf32>
    %gt3A_462 = arith.cmpf ogt, %slice3A_458, %select_n3A_441 : vector<512x128xf32>
    %broadcast_in_dim3A_463 = vector.shape_cast %add3A_461 : vector<1x128xf32> to vector<1x128xf32>
    %broadcast_in_dim3A_464 = vector.broadcast %broadcast_in_dim3A_463 : vector<1x128xf32> to vector<512x128xf32>
    %select_n3A_465 = arith.select %gt3A_462, %broadcast_in_dim3A_464, %select_n3A_440 : vector<512x128xi1>, vector<512x128xf32>
    %select_n3A_466 = arith.select %gt3A_462, %slice3A_458, %select_n3A_441 : vector<512x128xi1>, vector<512x128xf32>
    %slice3A_467 = vector.extract_strided_slice %sub3A_457 {offsets = [0, 128], sizes = [512, 128], strides = [1, 1]} : vector<512x1024xf32> to vector<512x128xf32>
    %add3A_468 = arith.constant 5.248000e+03 : f32
    %add3A_469 = vector.broadcast %add3A_468 : f32 to vector<1x128xf32>
    %add3A_470 = arith.addf %convert_element_type3A, %add3A_469 : vector<1x128xf32>
    %gt3A_471 = arith.cmpf ogt, %slice3A_467, %select_n3A_466 : vector<512x128xf32>
    %broadcast_in_dim3A_472 = vector.shape_cast %add3A_470 : vector<1x128xf32> to vector<1x128xf32>
    %broadcast_in_dim3A_473 = vector.broadcast %broadcast_in_dim3A_472 : vector<1x128xf32> to vector<512x128xf32>
    %select_n3A_474 = arith.select %gt3A_471, %broadcast_in_dim3A_473, %select_n3A_465 : vector<512x128xi1>, vector<512x128xf32>
    %select_n3A_475 = arith.select %gt3A_471, %slice3A_467, %select_n3A_466 : vector<512x128xi1>, vector<512x128xf32>
    %slice3A_476 = vector.extract_strided_slice %sub3A_457 {offsets = [0, 256], sizes = [512, 128], strides = [1, 1]} : vector<512x1024xf32> to vector<512x128xf32>
    %add3A_477 = arith.constant 5.376000e+03 : f32
    %add3A_478 = vector.broadcast %add3A_477 : f32 to vector<1x128xf32>
    %add3A_479 = arith.addf %convert_element_type3A, %add3A_478 : vector<1x128xf32>
    %gt3A_480 = arith.cmpf ogt, %slice3A_476, %select_n3A_475 : vector<512x128xf32>
    %broadcast_in_dim3A_481 = vector.shape_cast %add3A_479 : vector<1x128xf32> to vector<1x128xf32>
    %broadcast_in_dim3A_482 = vector.broadcast %broadcast_in_dim3A_481 : vector<1x128xf32> to vector<512x128xf32>
    %select_n3A_483 = arith.select %gt3A_480, %broadcast_in_dim3A_482, %select_n3A_474 : vector<512x128xi1>, vector<512x128xf32>
    %select_n3A_484 = arith.select %gt3A_480, %slice3A_476, %select_n3A_475 : vector<512x128xi1>, vector<512x128xf32>
    %slice3A_485 = vector.extract_strided_slice %sub3A_457 {offsets = [0, 384], sizes = [512, 128], strides = [1, 1]} : vector<512x1024xf32> to vector<512x128xf32>
    %add3A_486 = arith.constant 5.504000e+03 : f32
    %add3A_487 = vector.broadcast %add3A_486 : f32 to vector<1x128xf32>
    %add3A_488 = arith.addf %convert_element_type3A, %add3A_487 : vector<1x128xf32>
    %gt3A_489 = arith.cmpf ogt, %slice3A_485, %select_n3A_484 : vector<512x128xf32>
    %broadcast_in_dim3A_490 = vector.shape_cast %add3A_488 : vector<1x128xf32> to vector<1x128xf32>
    %broadcast_in_dim3A_491 = vector.broadcast %broadcast_in_dim3A_490 : vector<1x128xf32> to vector<512x128xf32>
    %select_n3A_492 = arith.select %gt3A_489, %broadcast_in_dim3A_491, %select_n3A_483 : vector<512x128xi1>, vector<512x128xf32>
    %select_n3A_493 = arith.select %gt3A_489, %slice3A_485, %select_n3A_484 : vector<512x128xi1>, vector<512x128xf32>
    %slice3A_494 = vector.extract_strided_slice %sub3A_457 {offsets = [0, 512], sizes = [512, 128], strides = [1, 1]} : vector<512x1024xf32> to vector<512x128xf32>
    %add3A_495 = arith.constant 5.632000e+03 : f32
    %add3A_496 = vector.broadcast %add3A_495 : f32 to vector<1x128xf32>
    %add3A_497 = arith.addf %convert_element_type3A, %add3A_496 : vector<1x128xf32>
    %gt3A_498 = arith.cmpf ogt, %slice3A_494, %select_n3A_493 : vector<512x128xf32>
    %broadcast_in_dim3A_499 = vector.shape_cast %add3A_497 : vector<1x128xf32> to vector<1x128xf32>
    %broadcast_in_dim3A_500 = vector.broadcast %broadcast_in_dim3A_499 : vector<1x128xf32> to vector<512x128xf32>
    %select_n3A_501 = arith.select %gt3A_498, %broadcast_in_dim3A_500, %select_n3A_492 : vector<512x128xi1>, vector<512x128xf32>
    %select_n3A_502 = arith.select %gt3A_498, %slice3A_494, %select_n3A_493 : vector<512x128xi1>, vector<512x128xf32>
    %slice3A_503 = vector.extract_strided_slice %sub3A_457 {offsets = [0, 640], sizes = [512, 128], strides = [1, 1]} : vector<512x1024xf32> to vector<512x128xf32>
    %add3A_504 = arith.constant 5.760000e+03 : f32
    %add3A_505 = vector.broadcast %add3A_504 : f32 to vector<1x128xf32>
    %add3A_506 = arith.addf %convert_element_type3A, %add3A_505 : vector<1x128xf32>
    %gt3A_507 = arith.cmpf ogt, %slice3A_503, %select_n3A_502 : vector<512x128xf32>
    %broadcast_in_dim3A_508 = vector.shape_cast %add3A_506 : vector<1x128xf32> to vector<1x128xf32>
    %broadcast_in_dim3A_509 = vector.broadcast %broadcast_in_dim3A_508 : vector<1x128xf32> to vector<512x128xf32>
    %select_n3A_510 = arith.select %gt3A_507, %broadcast_in_dim3A_509, %select_n3A_501 : vector<512x128xi1>, vector<512x128xf32>
    %select_n3A_511 = arith.select %gt3A_507, %slice3A_503, %select_n3A_502 : vector<512x128xi1>, vector<512x128xf32>
    %slice3A_512 = vector.extract_strided_slice %sub3A_457 {offsets = [0, 768], sizes = [512, 128], strides = [1, 1]} : vector<512x1024xf32> to vector<512x128xf32>
    %add3A_513 = arith.constant 5.888000e+03 : f32
    %add3A_514 = vector.broadcast %add3A_513 : f32 to vector<1x128xf32>
    %add3A_515 = arith.addf %convert_element_type3A, %add3A_514 : vector<1x128xf32>
    %gt3A_516 = arith.cmpf ogt, %slice3A_512, %select_n3A_511 : vector<512x128xf32>
    %broadcast_in_dim3A_517 = vector.shape_cast %add3A_515 : vector<1x128xf32> to vector<1x128xf32>
    %broadcast_in_dim3A_518 = vector.broadcast %broadcast_in_dim3A_517 : vector<1x128xf32> to vector<512x128xf32>
    %select_n3A_519 = arith.select %gt3A_516, %broadcast_in_dim3A_518, %select_n3A_510 : vector<512x128xi1>, vector<512x128xf32>
    %select_n3A_520 = arith.select %gt3A_516, %slice3A_512, %select_n3A_511 : vector<512x128xi1>, vector<512x128xf32>
    %slice3A_521 = vector.extract_strided_slice %sub3A_457 {offsets = [0, 896], sizes = [512, 128], strides = [1, 1]} : vector<512x1024xf32> to vector<512x128xf32>
    %add3A_522 = arith.constant 6.016000e+03 : f32
    %add3A_523 = vector.broadcast %add3A_522 : f32 to vector<1x128xf32>
    %add3A_524 = arith.addf %convert_element_type3A, %add3A_523 : vector<1x128xf32>
    %gt3A_525 = arith.cmpf ogt, %slice3A_521, %select_n3A_520 : vector<512x128xf32>
    %broadcast_in_dim3A_526 = vector.shape_cast %add3A_524 : vector<1x128xf32> to vector<1x128xf32>
    %broadcast_in_dim3A_527 = vector.broadcast %broadcast_in_dim3A_526 : vector<1x128xf32> to vector<512x128xf32>
    %select_n3A_528 = arith.select %gt3A_525, %broadcast_in_dim3A_527, %select_n3A_519 : vector<512x128xi1>, vector<512x128xf32>
    %select_n3A_529 = arith.select %gt3A_525, %slice3A_521, %select_n3A_520 : vector<512x128xi1>, vector<512x128xf32>
    %get3A_530 = arith.constant 6 : index
    %get3A_531 = arith.constant 0 : index
    %get3A_532 = arith.constant 0 : index
    %get3A_533 = vector.load %arg3[%get3A_530, %get3A_531, %get3A_532] : memref<8x1024x256xf32, #tpu.memory_space<vmem>>, vector<1x1024x256xf32>
    %get3A_534 = vector.shape_cast %get3A_533 : vector<1x1024x256xf32> to vector<1024x256xf32>
    %dot_general3A_535 = arith.constant dense<0.000000e+00> : vector<512x1024xf32>
    %dot_general3A_536 = tpu.matmul %get3A_1, %get3A_534, %dot_general3A_535 {dimension_numbers = #tpu.dot_dimension_numbers<[1], [1], [0], [0], [0, 0, 1, 0], [], []>, transpose_lhs_hint = false} : vector<512x256xf32>, vector<1024x256xf32>, vector<512x1024xf32> -> vector<512x1024xf32>
    %get3A_537 = arith.constant 6 : index
    %get3A_538 = arith.constant 0 : index
    %get3A_539 = arith.constant 0 : index
    %get3A_540 = vector.load %arg4[%get3A_537, %get3A_538, %get3A_539] : memref<8x1x1024xf32, #tpu.memory_space<vmem>>, vector<1x1x1024xf32>
    %get3A_541 = vector.shape_cast %get3A_540 : vector<1x1x1024xf32> to vector<1x1024xf32>
    %add3A_542 = vector.broadcast %get3A_4 : vector<512x1xf32> to vector<512x1024xf32>
    %add3A_543 = vector.broadcast %get3A_541 : vector<1x1024xf32> to vector<512x1024xf32>
    %add3A_544 = arith.addf %add3A_542, %add3A_543 : vector<512x1024xf32>
    %sub3A_545 = arith.subf %dot_general3A_536, %add3A_544 : vector<512x1024xf32>
    %slice3A_546 = vector.extract_strided_slice %sub3A_545 {offsets = [0, 0], sizes = [512, 128], strides = [1, 1]} : vector<512x1024xf32> to vector<512x128xf32>
    %add3A_547 = arith.constant 6.144000e+03 : f32
    %add3A_548 = vector.broadcast %add3A_547 : f32 to vector<1x128xf32>
    %add3A_549 = arith.addf %convert_element_type3A, %add3A_548 : vector<1x128xf32>
    %gt3A_550 = arith.cmpf ogt, %slice3A_546, %select_n3A_529 : vector<512x128xf32>
    %broadcast_in_dim3A_551 = vector.shape_cast %add3A_549 : vector<1x128xf32> to vector<1x128xf32>
    %broadcast_in_dim3A_552 = vector.broadcast %broadcast_in_dim3A_551 : vector<1x128xf32> to vector<512x128xf32>
    %select_n3A_553 = arith.select %gt3A_550, %broadcast_in_dim3A_552, %select_n3A_528 : vector<512x128xi1>, vector<512x128xf32>
    %select_n3A_554 = arith.select %gt3A_550, %slice3A_546, %select_n3A_529 : vector<512x128xi1>, vector<512x128xf32>
    %slice3A_555 = vector.extract_strided_slice %sub3A_545 {offsets = [0, 128], sizes = [512, 128], strides = [1, 1]} : vector<512x1024xf32> to vector<512x128xf32>
    %add3A_556 = arith.constant 6.272000e+03 : f32
    %add3A_557 = vector.broadcast %add3A_556 : f32 to vector<1x128xf32>
    %add3A_558 = arith.addf %convert_element_type3A, %add3A_557 : vector<1x128xf32>
    %gt3A_559 = arith.cmpf ogt, %slice3A_555, %select_n3A_554 : vector<512x128xf32>
    %broadcast_in_dim3A_560 = vector.shape_cast %add3A_558 : vector<1x128xf32> to vector<1x128xf32>
    %broadcast_in_dim3A_561 = vector.broadcast %broadcast_in_dim3A_560 : vector<1x128xf32> to vector<512x128xf32>
    %select_n3A_562 = arith.select %gt3A_559, %broadcast_in_dim3A_561, %select_n3A_553 : vector<512x128xi1>, vector<512x128xf32>
    %select_n3A_563 = arith.select %gt3A_559, %slice3A_555, %select_n3A_554 : vector<512x128xi1>, vector<512x128xf32>
    %slice3A_564 = vector.extract_strided_slice %sub3A_545 {offsets = [0, 256], sizes = [512, 128], strides = [1, 1]} : vector<512x1024xf32> to vector<512x128xf32>
    %add3A_565 = arith.constant 6.400000e+03 : f32
    %add3A_566 = vector.broadcast %add3A_565 : f32 to vector<1x128xf32>
    %add3A_567 = arith.addf %convert_element_type3A, %add3A_566 : vector<1x128xf32>
    %gt3A_568 = arith.cmpf ogt, %slice3A_564, %select_n3A_563 : vector<512x128xf32>
    %broadcast_in_dim3A_569 = vector.shape_cast %add3A_567 : vector<1x128xf32> to vector<1x128xf32>
    %broadcast_in_dim3A_570 = vector.broadcast %broadcast_in_dim3A_569 : vector<1x128xf32> to vector<512x128xf32>
    %select_n3A_571 = arith.select %gt3A_568, %broadcast_in_dim3A_570, %select_n3A_562 : vector<512x128xi1>, vector<512x128xf32>
    %select_n3A_572 = arith.select %gt3A_568, %slice3A_564, %select_n3A_563 : vector<512x128xi1>, vector<512x128xf32>
    %slice3A_573 = vector.extract_strided_slice %sub3A_545 {offsets = [0, 384], sizes = [512, 128], strides = [1, 1]} : vector<512x1024xf32> to vector<512x128xf32>
    %add3A_574 = arith.constant 6.528000e+03 : f32
    %add3A_575 = vector.broadcast %add3A_574 : f32 to vector<1x128xf32>
    %add3A_576 = arith.addf %convert_element_type3A, %add3A_575 : vector<1x128xf32>
    %gt3A_577 = arith.cmpf ogt, %slice3A_573, %select_n3A_572 : vector<512x128xf32>
    %broadcast_in_dim3A_578 = vector.shape_cast %add3A_576 : vector<1x128xf32> to vector<1x128xf32>
    %broadcast_in_dim3A_579 = vector.broadcast %broadcast_in_dim3A_578 : vector<1x128xf32> to vector<512x128xf32>
    %select_n3A_580 = arith.select %gt3A_577, %broadcast_in_dim3A_579, %select_n3A_571 : vector<512x128xi1>, vector<512x128xf32>
    %select_n3A_581 = arith.select %gt3A_577, %slice3A_573, %select_n3A_572 : vector<512x128xi1>, vector<512x128xf32>
    %slice3A_582 = vector.extract_strided_slice %sub3A_545 {offsets = [0, 512], sizes = [512, 128], strides = [1, 1]} : vector<512x1024xf32> to vector<512x128xf32>
    %add3A_583 = arith.constant 6.656000e+03 : f32
    %add3A_584 = vector.broadcast %add3A_583 : f32 to vector<1x128xf32>
    %add3A_585 = arith.addf %convert_element_type3A, %add3A_584 : vector<1x128xf32>
    %gt3A_586 = arith.cmpf ogt, %slice3A_582, %select_n3A_581 : vector<512x128xf32>
    %broadcast_in_dim3A_587 = vector.shape_cast %add3A_585 : vector<1x128xf32> to vector<1x128xf32>
    %broadcast_in_dim3A_588 = vector.broadcast %broadcast_in_dim3A_587 : vector<1x128xf32> to vector<512x128xf32>
    %select_n3A_589 = arith.select %gt3A_586, %broadcast_in_dim3A_588, %select_n3A_580 : vector<512x128xi1>, vector<512x128xf32>
    %select_n3A_590 = arith.select %gt3A_586, %slice3A_582, %select_n3A_581 : vector<512x128xi1>, vector<512x128xf32>
    %slice3A_591 = vector.extract_strided_slice %sub3A_545 {offsets = [0, 640], sizes = [512, 128], strides = [1, 1]} : vector<512x1024xf32> to vector<512x128xf32>
    %add3A_592 = arith.constant 6.784000e+03 : f32
    %add3A_593 = vector.broadcast %add3A_592 : f32 to vector<1x128xf32>
    %add3A_594 = arith.addf %convert_element_type3A, %add3A_593 : vector<1x128xf32>
    %gt3A_595 = arith.cmpf ogt, %slice3A_591, %select_n3A_590 : vector<512x128xf32>
    %broadcast_in_dim3A_596 = vector.shape_cast %add3A_594 : vector<1x128xf32> to vector<1x128xf32>
    %broadcast_in_dim3A_597 = vector.broadcast %broadcast_in_dim3A_596 : vector<1x128xf32> to vector<512x128xf32>
    %select_n3A_598 = arith.select %gt3A_595, %broadcast_in_dim3A_597, %select_n3A_589 : vector<512x128xi1>, vector<512x128xf32>
    %select_n3A_599 = arith.select %gt3A_595, %slice3A_591, %select_n3A_590 : vector<512x128xi1>, vector<512x128xf32>
    %slice3A_600 = vector.extract_strided_slice %sub3A_545 {offsets = [0, 768], sizes = [512, 128], strides = [1, 1]} : vector<512x1024xf32> to vector<512x128xf32>
    %add3A_601 = arith.constant 6.912000e+03 : f32
    %add3A_602 = vector.broadcast %add3A_601 : f32 to vector<1x128xf32>
    %add3A_603 = arith.addf %convert_element_type3A, %add3A_602 : vector<1x128xf32>
    %gt3A_604 = arith.cmpf ogt, %slice3A_600, %select_n3A_599 : vector<512x128xf32>
    %broadcast_in_dim3A_605 = vector.shape_cast %add3A_603 : vector<1x128xf32> to vector<1x128xf32>
    %broadcast_in_dim3A_606 = vector.broadcast %broadcast_in_dim3A_605 : vector<1x128xf32> to vector<512x128xf32>
    %select_n3A_607 = arith.select %gt3A_604, %broadcast_in_dim3A_606, %select_n3A_598 : vector<512x128xi1>, vector<512x128xf32>
    %select_n3A_608 = arith.select %gt3A_604, %slice3A_600, %select_n3A_599 : vector<512x128xi1>, vector<512x128xf32>
    %slice3A_609 = vector.extract_strided_slice %sub3A_545 {offsets = [0, 896], sizes = [512, 128], strides = [1, 1]} : vector<512x1024xf32> to vector<512x128xf32>
    %add3A_610 = arith.constant 7.040000e+03 : f32
    %add3A_611 = vector.broadcast %add3A_610 : f32 to vector<1x128xf32>
    %add3A_612 = arith.addf %convert_element_type3A, %add3A_611 : vector<1x128xf32>
    %gt3A_613 = arith.cmpf ogt, %slice3A_609, %select_n3A_608 : vector<512x128xf32>
    %broadcast_in_dim3A_614 = vector.shape_cast %add3A_612 : vector<1x128xf32> to vector<1x128xf32>
    %broadcast_in_dim3A_615 = vector.broadcast %broadcast_in_dim3A_614 : vector<1x128xf32> to vector<512x128xf32>
    %select_n3A_616 = arith.select %gt3A_613, %broadcast_in_dim3A_615, %select_n3A_607 : vector<512x128xi1>, vector<512x128xf32>
    %select_n3A_617 = arith.select %gt3A_613, %slice3A_609, %select_n3A_608 : vector<512x128xi1>, vector<512x128xf32>
    %get3A_618 = arith.constant 7 : index
    %get3A_619 = arith.constant 0 : index
    %get3A_620 = arith.constant 0 : index
    %get3A_621 = vector.load %arg3[%get3A_618, %get3A_619, %get3A_620] : memref<8x1024x256xf32, #tpu.memory_space<vmem>>, vector<1x1024x256xf32>
    %get3A_622 = vector.shape_cast %get3A_621 : vector<1x1024x256xf32> to vector<1024x256xf32>
    %dot_general3A_623 = arith.constant dense<0.000000e+00> : vector<512x1024xf32>
    %dot_general3A_624 = tpu.matmul %get3A_1, %get3A_622, %dot_general3A_623 {dimension_numbers = #tpu.dot_dimension_numbers<[1], [1], [0], [0], [0, 0, 1, 0], [], []>, transpose_lhs_hint = false} : vector<512x256xf32>, vector<1024x256xf32>, vector<512x1024xf32> -> vector<512x1024xf32>
    %get3A_625 = arith.constant 7 : index
    %get3A_626 = arith.constant 0 : index
    %get3A_627 = arith.constant 0 : index
    %get3A_628 = vector.load %arg4[%get3A_625, %get3A_626, %get3A_627] : memref<8x1x1024xf32, #tpu.memory_space<vmem>>, vector<1x1x1024xf32>
    %get3A_629 = vector.shape_cast %get3A_628 : vector<1x1x1024xf32> to vector<1x1024xf32>
    %add3A_630 = vector.broadcast %get3A_4 : vector<512x1xf32> to vector<512x1024xf32>
    %add3A_631 = vector.broadcast %get3A_629 : vector<1x1024xf32> to vector<512x1024xf32>
    %add3A_632 = arith.addf %add3A_630, %add3A_631 : vector<512x1024xf32>
    %sub3A_633 = arith.subf %dot_general3A_624, %add3A_632 : vector<512x1024xf32>
    %slice3A_634 = vector.extract_strided_slice %sub3A_633 {offsets = [0, 0], sizes = [512, 128], strides = [1, 1]} : vector<512x1024xf32> to vector<512x128xf32>
    %add3A_635 = arith.constant 7.168000e+03 : f32
    %add3A_636 = vector.broadcast %add3A_635 : f32 to vector<1x128xf32>
    %add3A_637 = arith.addf %convert_element_type3A, %add3A_636 : vector<1x128xf32>
    %gt3A_638 = arith.cmpf ogt, %slice3A_634, %select_n3A_617 : vector<512x128xf32>
    %broadcast_in_dim3A_639 = vector.shape_cast %add3A_637 : vector<1x128xf32> to vector<1x128xf32>
    %broadcast_in_dim3A_640 = vector.broadcast %broadcast_in_dim3A_639 : vector<1x128xf32> to vector<512x128xf32>
    %select_n3A_641 = arith.select %gt3A_638, %broadcast_in_dim3A_640, %select_n3A_616 : vector<512x128xi1>, vector<512x128xf32>
    %select_n3A_642 = arith.select %gt3A_638, %slice3A_634, %select_n3A_617 : vector<512x128xi1>, vector<512x128xf32>
    %slice3A_643 = vector.extract_strided_slice %sub3A_633 {offsets = [0, 128], sizes = [512, 128], strides = [1, 1]} : vector<512x1024xf32> to vector<512x128xf32>
    %add3A_644 = arith.constant 7.296000e+03 : f32
    %add3A_645 = vector.broadcast %add3A_644 : f32 to vector<1x128xf32>
    %add3A_646 = arith.addf %convert_element_type3A, %add3A_645 : vector<1x128xf32>
    %gt3A_647 = arith.cmpf ogt, %slice3A_643, %select_n3A_642 : vector<512x128xf32>
    %broadcast_in_dim3A_648 = vector.shape_cast %add3A_646 : vector<1x128xf32> to vector<1x128xf32>
    %broadcast_in_dim3A_649 = vector.broadcast %broadcast_in_dim3A_648 : vector<1x128xf32> to vector<512x128xf32>
    %select_n3A_650 = arith.select %gt3A_647, %broadcast_in_dim3A_649, %select_n3A_641 : vector<512x128xi1>, vector<512x128xf32>
    %select_n3A_651 = arith.select %gt3A_647, %slice3A_643, %select_n3A_642 : vector<512x128xi1>, vector<512x128xf32>
    %slice3A_652 = vector.extract_strided_slice %sub3A_633 {offsets = [0, 256], sizes = [512, 128], strides = [1, 1]} : vector<512x1024xf32> to vector<512x128xf32>
    %add3A_653 = arith.constant 7.424000e+03 : f32
    %add3A_654 = vector.broadcast %add3A_653 : f32 to vector<1x128xf32>
    %add3A_655 = arith.addf %convert_element_type3A, %add3A_654 : vector<1x128xf32>
    %gt3A_656 = arith.cmpf ogt, %slice3A_652, %select_n3A_651 : vector<512x128xf32>
    %broadcast_in_dim3A_657 = vector.shape_cast %add3A_655 : vector<1x128xf32> to vector<1x128xf32>
    %broadcast_in_dim3A_658 = vector.broadcast %broadcast_in_dim3A_657 : vector<1x128xf32> to vector<512x128xf32>
    %select_n3A_659 = arith.select %gt3A_656, %broadcast_in_dim3A_658, %select_n3A_650 : vector<512x128xi1>, vector<512x128xf32>
    %select_n3A_660 = arith.select %gt3A_656, %slice3A_652, %select_n3A_651 : vector<512x128xi1>, vector<512x128xf32>
    %slice3A_661 = vector.extract_strided_slice %sub3A_633 {offsets = [0, 384], sizes = [512, 128], strides = [1, 1]} : vector<512x1024xf32> to vector<512x128xf32>
    %add3A_662 = arith.constant 7.552000e+03 : f32
    %add3A_663 = vector.broadcast %add3A_662 : f32 to vector<1x128xf32>
    %add3A_664 = arith.addf %convert_element_type3A, %add3A_663 : vector<1x128xf32>
    %gt3A_665 = arith.cmpf ogt, %slice3A_661, %select_n3A_660 : vector<512x128xf32>
    %broadcast_in_dim3A_666 = vector.shape_cast %add3A_664 : vector<1x128xf32> to vector<1x128xf32>
    %broadcast_in_dim3A_667 = vector.broadcast %broadcast_in_dim3A_666 : vector<1x128xf32> to vector<512x128xf32>
    %select_n3A_668 = arith.select %gt3A_665, %broadcast_in_dim3A_667, %select_n3A_659 : vector<512x128xi1>, vector<512x128xf32>
    %select_n3A_669 = arith.select %gt3A_665, %slice3A_661, %select_n3A_660 : vector<512x128xi1>, vector<512x128xf32>
    %slice3A_670 = vector.extract_strided_slice %sub3A_633 {offsets = [0, 512], sizes = [512, 128], strides = [1, 1]} : vector<512x1024xf32> to vector<512x128xf32>
    %add3A_671 = arith.constant 7.680000e+03 : f32
    %add3A_672 = vector.broadcast %add3A_671 : f32 to vector<1x128xf32>
    %add3A_673 = arith.addf %convert_element_type3A, %add3A_672 : vector<1x128xf32>
    %gt3A_674 = arith.cmpf ogt, %slice3A_670, %select_n3A_669 : vector<512x128xf32>
    %broadcast_in_dim3A_675 = vector.shape_cast %add3A_673 : vector<1x128xf32> to vector<1x128xf32>
    %broadcast_in_dim3A_676 = vector.broadcast %broadcast_in_dim3A_675 : vector<1x128xf32> to vector<512x128xf32>
    %select_n3A_677 = arith.select %gt3A_674, %broadcast_in_dim3A_676, %select_n3A_668 : vector<512x128xi1>, vector<512x128xf32>
    %select_n3A_678 = arith.select %gt3A_674, %slice3A_670, %select_n3A_669 : vector<512x128xi1>, vector<512x128xf32>
    %slice3A_679 = vector.extract_strided_slice %sub3A_633 {offsets = [0, 640], sizes = [512, 128], strides = [1, 1]} : vector<512x1024xf32> to vector<512x128xf32>
    %add3A_680 = arith.constant 7.808000e+03 : f32
    %add3A_681 = vector.broadcast %add3A_680 : f32 to vector<1x128xf32>
    %add3A_682 = arith.addf %convert_element_type3A, %add3A_681 : vector<1x128xf32>
    %gt3A_683 = arith.cmpf ogt, %slice3A_679, %select_n3A_678 : vector<512x128xf32>
    %broadcast_in_dim3A_684 = vector.shape_cast %add3A_682 : vector<1x128xf32> to vector<1x128xf32>
    %broadcast_in_dim3A_685 = vector.broadcast %broadcast_in_dim3A_684 : vector<1x128xf32> to vector<512x128xf32>
    %select_n3A_686 = arith.select %gt3A_683, %broadcast_in_dim3A_685, %select_n3A_677 : vector<512x128xi1>, vector<512x128xf32>
    %select_n3A_687 = arith.select %gt3A_683, %slice3A_679, %select_n3A_678 : vector<512x128xi1>, vector<512x128xf32>
    %slice3A_688 = vector.extract_strided_slice %sub3A_633 {offsets = [0, 768], sizes = [512, 128], strides = [1, 1]} : vector<512x1024xf32> to vector<512x128xf32>
    %add3A_689 = arith.constant 7.936000e+03 : f32
    %add3A_690 = vector.broadcast %add3A_689 : f32 to vector<1x128xf32>
    %add3A_691 = arith.addf %convert_element_type3A, %add3A_690 : vector<1x128xf32>
    %gt3A_692 = arith.cmpf ogt, %slice3A_688, %select_n3A_687 : vector<512x128xf32>
    %broadcast_in_dim3A_693 = vector.shape_cast %add3A_691 : vector<1x128xf32> to vector<1x128xf32>
    %broadcast_in_dim3A_694 = vector.broadcast %broadcast_in_dim3A_693 : vector<1x128xf32> to vector<512x128xf32>
    %select_n3A_695 = arith.select %gt3A_692, %broadcast_in_dim3A_694, %select_n3A_686 : vector<512x128xi1>, vector<512x128xf32>
    %select_n3A_696 = arith.select %gt3A_692, %slice3A_688, %select_n3A_687 : vector<512x128xi1>, vector<512x128xf32>
    %slice3A_697 = vector.extract_strided_slice %sub3A_633 {offsets = [0, 896], sizes = [512, 128], strides = [1, 1]} : vector<512x1024xf32> to vector<512x128xf32>
    %add3A_698 = arith.constant 8.064000e+03 : f32
    %add3A_699 = vector.broadcast %add3A_698 : f32 to vector<1x128xf32>
    %add3A_700 = arith.addf %convert_element_type3A, %add3A_699 : vector<1x128xf32>
    %gt3A_701 = arith.cmpf ogt, %slice3A_697, %select_n3A_696 : vector<512x128xf32>
    %broadcast_in_dim3A_702 = vector.shape_cast %add3A_700 : vector<1x128xf32> to vector<1x128xf32>
    %broadcast_in_dim3A_703 = vector.broadcast %broadcast_in_dim3A_702 : vector<1x128xf32> to vector<512x128xf32>
    %select_n3A_704 = arith.select %gt3A_701, %broadcast_in_dim3A_703, %select_n3A_695 : vector<512x128xi1>, vector<512x128xf32>
    %select_n3A_705 = arith.select %gt3A_701, %slice3A_697, %select_n3A_696 : vector<512x128xi1>, vector<512x128xf32>
    %reduce_max3A = arith.constant dense<0xFF800000> : vector<512xf32>
    %reduce_max3A_706 = vector.multi_reduction <maximumf>, %select_n3A_705, %reduce_max3A [1] : vector<512x128xf32> to vector<512xf32>
    %broadcast_in_dim3A_707 = vector.shape_cast %reduce_max3A_706 : vector<512xf32> to vector<512x1xf32>
    %eq3A = vector.broadcast %broadcast_in_dim3A_707 : vector<512x1xf32> to vector<512x128xf32>
    %eq3A_708 = arith.cmpf oeq, %select_n3A_705, %eq3A : vector<512x128xf32>
    %jit3A = arith.constant 1.07374182E+9 : f32
    %broadcast_in_dim3A_709 = vector.broadcast %jit3A : f32 to vector<512x128xf32>
    %select_n3A_710 = arith.select %eq3A_708, %select_n3A_704, %broadcast_in_dim3A_709 : vector<512x128xi1>, vector<512x128xf32>
    %reduce_min3A = arith.constant dense<0x7F800000> : vector<512xf32>
    %reduce_min3A_711 = vector.multi_reduction <minimumf>, %select_n3A_710, %reduce_min3A [1] : vector<512x128xf32> to vector<512xf32>
    %broadcast_in_dim3A_712 = vector.shape_cast %reduce_min3A_711 : vector<512xf32> to vector<512x1xf32>
    %convert_element_type3A_713 = arith.fptosi %broadcast_in_dim3A_712 : vector<512x1xf32> to vector<512x1xi32>
    %swap3A = arith.constant 0 : index
    %swap3A_714 = arith.constant 0 : index
    %swap3A_715 = vector.load %arg5[%swap3A, %swap3A_714] : memref<512x1xi32, #tpu.memory_space<vmem>>, vector<512x1xi32>
    tpu.vector_store %arg5[%swap3A, %swap3A_714], %convert_element_type3A_713 {strides = array<i32>} : memref<512x1xi32, #tpu.memory_space<vmem>>, vector<512x1xi32>,
    %eq3A_716 = arith.constant 0 : i32
    %eq3A_717 = arith.cmpi eq, %arg0, %eq3A_716 : i32
    %convert_element_type3A_718 = arith.extui %eq3A_717 : i1 to i32
    %cond3A = arith.constant 0 : i32
    %cond3A_719 = arith.cmpi ne, %convert_element_type3A_718, %cond3A : i32
    scf.if %cond3A_719 {
      %swap3A_736 = arith.constant 0.000000e+00 : f32
      %swap3A_737 = arith.constant 0 : index
      %swap3A_738 = arith.constant 0 : index
      %swap3A_739 = memref.load %arg7[%swap3A_737, %swap3A_738] : memref<1x1xf32, #tpu.memory_space<smem>>
      memref.store %swap3A_736, %arg7[%swap3A_737, %swap3A_738] : memref<1x1xf32, #tpu.memory_space<smem>>
    } else {
    }
    %get3A_720 = arith.constant 0 : index
    %get3A_721 = arith.constant 0 : index
    %get3A_722 = memref.load %arg7[%get3A_720, %get3A_721] : memref<1x1xf32, #tpu.memory_space<smem>>
    %reduce_sum3A = vector.shape_cast %broadcast_in_dim3A_707 : vector<512x1xf32> to vector<1x512x1xf32>
    %reduce_sum3A_723 = arith.constant dense<0.000000e+00> : vector<1xf32>
    %reduce_sum3A_724 = vector.multi_reduction <add>, %reduce_sum3A, %reduce_sum3A_723 [1, 2] : vector<1x512x1xf32> to vector<1xf32>
    %reduce_sum3A_725 = vector.shape_cast %reduce_sum3A_724 : vector<1xf32> to vector<1x1x1xf32>
    %reduce_sum3A_726 = vector.extract %reduce_sum3A_725[0, 0, 0] : f32 from vector<1x1x1xf32>
    %add3A_727 = arith.addf %get3A_722, %reduce_sum3A_726 : f32
    %swap3A_728 = arith.constant 0 : index
    %swap3A_729 = arith.constant 0 : index
    %swap3A_730 = memref.load %arg7[%swap3A_728, %swap3A_729] : memref<1x1xf32, #tpu.memory_space<smem>>
    memref.store %add3A_727, %arg7[%swap3A_728, %swap3A_729] : memref<1x1xf32, #tpu.memory_space<smem>>
    %eq3A_731 = arith.constant 17 : i32
    %eq3A_732 = arith.cmpi eq, %arg0, %eq3A_731 : i32
    %convert_element_type3A_733 = arith.extui %eq3A_732 : i1 to i32
    %cond3A_734 = arith.constant 0 : i32
    %cond3A_735 = arith.cmpi ne, %convert_element_type3A_733, %cond3A_734 : i32
    scf.if %cond3A_735 {
      %get3A_736 = arith.constant 0 : index
      %get3A_737 = arith.constant 0 : index
      %get3A_738 = memref.load %arg7[%get3A_736, %get3A_737] : memref<1x1xf32, #tpu.memory_space<smem>>
      %mul3A = arith.constant -8.4771051E-7 : f32
      %mul3A_739 = arith.mulf %get3A_738, %mul3A : f32
      %broadcast_in_dim3A_740 = vector.broadcast %mul3A_739 : f32 to vector<1x1xf32>
      %swap3A_741 = arith.constant 0 : index
      %swap3A_742 = arith.constant 0 : index
      %swap3A_743 = vector.load %arg6[%swap3A_741, %swap3A_742] : memref<1x1xf32, #tpu.memory_space<vmem>>, vector<1x1xf32>
      tpu.vector_store %arg6[%swap3A_741, %swap3A_742], %broadcast_in_dim3A_740 {strides = array<i32>} : memref<1x1xf32, #tpu.memory_space<vmem>>, vector<1x1xf32>,
    } else {
    }
    return
  }
  func.func @transform_0(%arg0: i32) -> (i32, i32) {
    %c0_i32 = arith.constant 0 : i32
    %c0_i32_0 = arith.constant 0 : i32
    return %arg0, %c0_i32 : i32, i32
  }
  func.func @transform_1(%arg0: i32) -> (i32, i32) {
    %c0_i32 = arith.constant 0 : i32
    %c0_i32_0 = arith.constant 0 : i32
    return %arg0, %c0_i32 : i32, i32
  }
  func.func @transform_2(%arg0: i32) -> (i32, i32, i32) {
    %c0_i32 = arith.constant 0 : i32
    %c0_i32_0 = arith.constant 0 : i32
    %c0_i32_1 = arith.constant 0 : i32
    %c0_i32_2 = arith.constant 0 : i32
    return %c0_i32, %c0_i32_0, %c0_i32_1 : i32, i32, i32
  }
  func.func @transform_3(%arg0: i32) -> (i32, i32, i32) {
    %c0_i32 = arith.constant 0 : i32
    %c0_i32_0 = arith.constant 0 : i32
    %c0_i32_1 = arith.constant 0 : i32
    %c0_i32_2 = arith.constant 0 : i32
    return %c0_i32, %c0_i32_0, %c0_i32_1 : i32, i32, i32
  }
  func.func @transform_4(%arg0: i32) -> (i32, i32) {
    %c0_i32 = arith.constant 0 : i32
    %c0_i32_0 = arith.constant 0 : i32
    return %arg0, %c0_i32 : i32, i32
  }
  func.func @transform_5(%arg0: i32) -> (i32, i32) {
    %c0_i32 = arith.constant 0 : i32
    %c0_i32_0 = arith.constant 0 : i32
    %c0_i32_1 = arith.constant 0 : i32
    return %c0_i32, %c0_i32_0 : i32, i32
  }
}

</mosaic_0001>

<sc_bundles>
// kernel: kernel.4.cloned.1.call-start
scs
__scs_entry_jumppad:
0x0: {  	(pc) =	sbr.rel $0x88, $3  }
0x1: {  	(tag) =	ssettag $0x0;
	lr =	simm.s32 $0x1  }
0x2: {  	[smem:$0x3F9F] =	sst lr;
	_ =	strace $0xD0000000  }
0x3: {  	_ = 	snop  }
0x4: {  	_ = 	snop  }
0x5: {  	_ = 	snop  }
0x6: {  	_ = 	snop  }
0x7: {  	_ = 	snop  }
__scs_overlays_trampoline_lowered:
0x8: {  	[smem:$0x3FAE] =	sst s0  }
0x9: {  	[smem:$0x3FAF] =	sst s1  }
0xa: {  	[smem:$0x3FB0] =	sst s2  }
0xb: {  	[smem:$0x3FB1] =	sst s3  }
0xc: {  	[smem:$0x3FB2] =	sst s4  }
0xd: {  	[smem:$0x3FB3] =	sst s5  }
0xe: {  	[smem:$0x3FB4] =	sst s6  }
0xf: {  	[smem:$0x3FB5] =	sst s7  }
0x10: {  	[smem:$0x3FB6] =	sst s8  }
0x11: {  	[smem:$0x3FB7] =	sst s9;
	s0 =	simm.s32 @!p0 $0x0  }
0x12: {  	s1 =	sld [smem:$0x3F9D];
	s0 =	simm.s32 @p0 $0x1  }
0x13: {  	[smem:$0x3FB8] =	sst s0;
	s0 =	simm.s32 @!p1 $0x0  }
0x14: {  	s2 =	sld [smem:$0x3F9C];
	s0 =	simm.s32 @p1 $0x1  }
0x15: {  	[smem:$0x3FB9] =	sst s0;
	s0 =	simm.s32 @!p2 $0x0  }
0x16: {  	s3 =	sld [smem:$0x3FDB];
	s0 =	simm.s32 @p2 $0x1  }
0x17: {  	s4 =	simm.s32 $0x1BF5;
	[smem:$0x3FBB] =	sst s0  }
0x18: {  	s0 =	sld [smem:$0x3F9E];
	_ =	swait.ge [sflag:s4], $0x0  }
0x19: {  	s7 =	sld [smem:$0x3F9F]  }
0x1a: {  	s8 =	sadd.s32 $0xFFFFE003, lr  }
0x1b: {  	s9 =	sadd.s32 $0xFFFFFEF7, lr;
	s5 =	simm.s32 $0xFFFFFFFF;
	p2 =	slt.u32 s8, $0xFFFFF086  }
0x1c: {  	p1 =	slt.u32 s9, $0xF7A;
	s5 =	simm.s32 @!p2 $0x0  }
0x1d: {  	s5 =	simm.s32 @p1 $0x1;
	p0 =	seq.s32 s7, s2  }
0x1e: {  	s7 =	smul.u32 @!p0 $0xF7A, s2;
	p2 =	seq.s32 @!p0 s5, $0x0  }
0x1f: {  	s9 =	smul.u32 $0xF7A, s1;
	s8 =	simm.s32 @!p0 $0x1BF5;
	p2 =	por !p2, p0  }
0x20: {  	[sflag:s8] =	ssyncset.s32 @!p0 $0xFFFFF086;
	s6 =	sadd.s32 @!p0 s3, s7;
	s7 =	simm.s32 @!p0 $0x108  }
0x21: {  	s3 =	sadd.s32 s3, s9;
	s6 =	sadd.s32 @!p0 $0x88, s6;
	s7 =	simm.s32 @p2 $0x1082  }
0x22: {  	[simem:s7], [sflag:s8] =	dma.local @!p0 [hbm:s6], $0xF7A  }
0x23: {  	s9 =	sor.u32 $0xD0000000, s2;
	s6 =	simm.s32 $0x108;
	_ =	swait.ge @!p0 [sflag:s8], $0x0  }
0x24: {  	s3 =	sadd.s32 $0x88, s3;
	s6 =	simm.s32 @!p1 $0x1082;
	[sflag:s4] =	ssyncset.s32 $0xFFFFF086  }
0x25: {  	[simem:s6], [sflag:s4] =	dma.local [hbm:s3], $0xF7A  }
0x26: {  	[smem:$0x3F9F] =	sst s1;
	(tag) =	ssettag s2;
	_ =	strace s9  }
0x27: {  	s1 =	sld [smem:$0x3FAF]  }
0x28: {  	s2 =	sld [smem:$0x3FB0]  }
0x29: {  	s4 =	sld [smem:$0x3FB2]  }
0x2a: {  	p0 =	seq.s32 s5, $0x0;
	s5 =	sld [smem:$0x3FB3]  }
0x2b: {  	s6 =	sld [smem:$0x3FB4]  }
0x2c: {  	s7 =	sld [smem:$0x3FB5]  }
0x2d: {  	s3 =	simm.s32 $0x108;
	s8 =	sld [smem:$0x3FB6]  }
0x2e: {  	s3 =	simm.s32 @!p0 $0x1082;
	s9 =	sld [smem:$0x3FB7]  }
0x2f: {  	lr =	sadd.s32 s0, s3;
	s0 =	sld [smem:$0x3FAE]  }
0x30: {  	s3 =	sld [smem:$0x3FB1]  }
0x31: {  	[smem:$0x3FBA] =	sst s10  }
0x32: {  	s10 =	sld [smem:$0x3FB8];
	_ =	sdelay $0x3  }
0x33: {  	p0 =	seq.s32 s10, $0x1;
	s10 =	sld [smem:$0x3FBA];
	_ =	sdelay $0x3  }
0x34: {  	[smem:$0x3FBA] =	sst s10  }
0x35: {  	s10 =	sld [smem:$0x3FB9];
	_ =	sdelay $0x3  }
0x36: {  	p1 =	seq.s32 s10, $0x1;
	s10 =	sld [smem:$0x3FBA];
	_ =	sdelay $0x3  }
0x37: {  	[smem:$0x3FBA] =	sst s10  }
0x38: {  	s10 =	sld [smem:$0x3FBB]  }
0x39: {  	_ = 	snop;
	(pc) =	sbr.ind lr, $3  }
0x3a: {  	_ = 	snop  }
0x3b: {  	_ = 	snop  }
0x3c: {  	p2 =	seq.s32 s10, $0x1;
	s10 =	sld [smem:$0x3FBA]  }
0x3d: {  	_ =	shalt  }
0x3e: {  	_ =	shalt  }
0x3f: {  	_ =	shalt  }
0x40: {  	_ =	shalt  }
0x41: {  	_ =	shalt  }
0x42: {  	_ =	shalt  }
0x43: {  	_ =	shalt  }
0x44: {  	_ =	shalt  }
0x45: {  	_ =	shalt  }
0x46: {  	_ =	shalt  }
0x47: {  	_ =	shalt  }
0x48: {  	_ =	shalt  }
0x49: {  	_ =	shalt  }
0x4a: {  	_ =	shalt  }
0x4b: {  	_ =	shalt  }
0x4c: {  	_ =	shalt  }
0x4d: {  	_ =	shalt  }
0x4e: {  	_ =	shalt  }
0x4f: {  	_ =	shalt  }
0x50: {  	_ =	shalt  }
0x51: {  	_ =	shalt  }
0x52: {  	_ =	shalt  }
0x53: {  	_ =	shalt  }
0x54: {  	_ =	shalt  }
0x55: {  	_ =	shalt  }
0x56: {  	_ =	shalt  }
0x57: {  	_ =	shalt  }
0x58: {  	_ =	shalt  }
0x59: {  	_ =	shalt  }
0x5a: {  	_ =	shalt  }
0x5b: {  	_ =	shalt  }
0x5c: {  	_ =	shalt  }
0x5d: {  	_ =	shalt  }
0x5e: {  	_ =	shalt  }
0x5f: {  	_ =	shalt  }
0x60: {  	_ =	shalt  }
0x61: {  	_ =	shalt  }
0x62: {  	_ =	shalt  }
0x63: {  	_ =	shalt  }
0x64: {  	_ =	shalt  }
0x65: {  	_ =	shalt  }
0x66: {  	_ =	shalt  }
0x67: {  	_ =	shalt  }
0x68: {  	_ =	shalt  }
0x69: {  	_ =	shalt  }
0x6a: {  	_ =	shalt  }
0x6b: {  	_ =	shalt  }
0x6c: {  	_ =	shalt  }
0x6d: {  	_ =	shalt  }
0x6e: {  	_ =	shalt  }
0x6f: {  	_ =	shalt  }
0x70: {  	_ =	shalt  }
0x71: {  	_ =	shalt  }
0x72: {  	_ =	shalt  }
0x73: {  	_ =	shalt  }
0x74: {  	_ =	shalt  }
0x75: {  	_ =	shalt  }
0x76: {  	_ =	shalt  }
0x77: {  	_ =	shalt  }
0x78: {  	_ =	shalt  }
0x79: {  	_ =	shalt  }
0x7a: {  	_ =	shalt  }
0x7b: {  	_ =	shalt  }
0x7c: {  	_ =	shalt  }
0x7d: {  	_ =	shalt  }
0x7e: {  	_ =	shalt  }
0x7f: {  	_ =	shalt  }
0x80: {  	_ =	shalt  }
0x81: {  	_ =	shalt  }
0x82: {  	_ =	shalt  }
0x83: {  	_ =	shalt  }
0x84: {  	_ =	shalt  }
0x85: {  	_ =	shalt  }
0x86: {  	_ =	shalt  }
0x87: {  	_ =	shalt  }
.Lfunc_end0:
.L_simem_size_0:
called_computation_lowered:
.L_overlay_start_0:
0x88: {  	s2 =	sld [smem:$0x3FD9]  }
0x89: {  	s3 =	sld [smem:$0x3FFE];
	_ =	sdelay $0x1  }
0x8a: {  	s1 =	srdreg.scid  }
0x8b: {  	s0 =	sand.u32 $0x1, s1  }
0x8c: {  	s14 =	sshll.u32 s0, $0xA;
	s2 =	sadd.s32 s3, s2  }
0x8d: {  	s2 =	sadd.s32 s2, s14  }
0x8e: {  	[smem:$0x3FC6] =	sst s2  }
0x8f: {  	_ = 	snop  }
0x90: {  	s2 =	sld [smem:$0x3FD0];
	_ =	sdelay $0x2  }
0x91: {  	s4 =	simm.s32 $0xA;
	s5 =	simm.s32 $0x10;
	s15 =	sld [smem:$0x3FC8]  }
0x92: {  	[smem:s5], [sflag:s4] =	dma.local [hbm:s2], $0x1  }
0x93: {  	_ =	swait.eq [sflag:s4], $0x1  }
0x94: {  	[sflag:s4] =	ssyncset.done $0x0  }
0x95: {  	[sflag:s4] =	ssyncadd.s32 $0xFFFFFFFF  }
0x96: {  	s16 =	sld [smem:$0x10];
	(tm) =	ssettm $0x1  }
0x97: {  	s17 =	sld [smem:$0x3FFB];
	_ =	sdelay $0x3  }
0x98: {  	_ =	strace s17  }
0x99: {  	s4 =	sld [smem:$0x3FFC];
	_ =	sdelay $0x3  }
0x9a: {  	_ =	strace s4  }
0x9b: {  	s4 =	sld [smem:$0x3FFD];
	_ =	sdelay $0x3  }
0x9c: {  	_ =	strace s4  }
0x9d: {  	_ =	strace $0x8FFFFFFF  }
0x9e: {  	s18 =	sld [smem:$0x3FDB];
	_ =	sdelay $0x1  }
0x9f: {  	s19 =	simm.s32 $_scs_section_size  }
0xa0: {  	s6 =	simm.s32 $_size__tile_overlayer_lowered;
	s7 =	simm.s32 $_tile_overlayer_lowered  }
0xa1: {  	s22 =	simm.s32 $0x1BFF;
	s21 =	sshll.u32 s7, $0x1;
	s4 =	sadd.s32 s19, s18  }
0xa2: {  	s8 =	simm.s32 $0x0;
	s20 =	sshll.u32 s6, $0x1;
	s6 =	sadd.s32 s21, s4  }
0xa3: {  	[timem:s8], [sflag:s22] =	dma.local [hbm:s6], s20  }
0xa4: {  	_ =	swait.ge [sflag:s22], s20  }
0xa5: {  	s5 =	ssub.s32 $0x0, s20;
	[sflag:s22] =	ssyncset.done $0x0  }
0xa6: {  	[sflag:s22] =	ssyncadd.s32 s5;
	_ =	sdelay $0x1  }
0xa7: {  	s23 =	simm.s32 $0x1B8B  }
0xa8: {  	_ =	swait.ge [sflag:s23], $0x1  }
0xa9: {  	[sflag:s23] =	ssyncset.done $0x0  }
0xaa: {  	s25 =	simm.s32 $0x1B8E;
	s24 =	sld [smem:$0x3FFE];
	[sflag:s23] =	ssyncadd.s32 $0xFFFFFFFF  }
0xab: {  	s26 =	simm.s32 $execute0_lowered;
	[smem:$0x3FD2] =	sst s25  }
0xac: {  	s6 =	sshll.u32 s26, $0x1;
	_ =	strace $0x80000046;
	[dreg:$0x1] =	wrdreg $0xFFFFFFFF  }
0xad: {  	s28 =	simm.s32 $_size_execute0_lowered;
	s4 =	sadd.s32 s4, s6;
	[dreg:$0x0] =	wrdreg $0x0  }
0xae: {  	s6 =	sshll.u32 s28, $0x1;
	[dreg:$0x2] =	wrdreg s4  }
0xaf: {  	[dreg:$0x3] =	wrdreg s6  }
0xb0: {  	[dreg:$0x4] =	wrdreg $0xC0  }
0xb1: {  	_ =	task [dreg:s8], $0x5FFFF  }
0xb2: {  	[dreg:$0x1] =	wrdreg $0xFFFFFFFF  }
0xb3: {  	[dreg:$0x0] =	wrdreg $0x60  }
0xb4: {  	[dreg:$0x2] =	wrdreg s15  }
0xb5: {  	[dreg:$0x3] =	wrdreg s24  }
0xb6: {  	[dreg:$0x4] =	wrdreg s16  }
0xb7: {  	[dreg:$0x5] =	wrdreg $0x9  }
0xb8: {  	_ =	task.clear_ibuf [dreg:s8], $0x6FFFF;
	_ =	strace $0x90000046  }
0xb9: {  	s29 =	simm.s32 $0x9;
	_ =	strace $0x80000048  }
0xba: {  	_ =	swait.ge [sflag:s29], $0x1  }
0xbb: {  	[sflag:s29] =	ssyncadd.s32 $0xFFFFFFFF  }
0xbc: {  	_ =	strace $0x90000048  }
0xbd: {  	_ =	sfence  }
0xbe: {  	s30 =	sld [smem:$0x0];
	_ =	sdelay $0x2  }
0xbf: {  	s31 =	sshll.u32 s1, $0xD;
	s1 =	sshrl.u32 s1, $0x2  }
0xc0: {  	s3 =	sand.u32 $0x4000, s31;
	s1 =	sadd.s32 s1, s30  }
0xc1: {  	s0 =	sor.u32 s3, s0;
	s1 =	sshll.u32 s1, $0x11  }
0xc2: {  	s0 =	sor.u32 s1, s0  }
0xc3: {  	s0 =	sadd.s32 $0x8F2B, s0  }
0xc4: {  	[sflag:s0] =	ssyncadd.remote.s32 $0x1  }
0xc5: {  	_ =	sfence.sel $0xFFFF  }
0xc6: {  	[dreg:$0x0] =	wrdreg $0xFFFFFFFF;
	(pc) =	sbr.abs _section_cstart, $3  }
0xc7: {  	[dreg:$0x1] =	wrdreg $0xFFFFFFFF  }
0xc8: {  	_ =	task.clear_ibuf [dreg:s8], $0x2FFFF;
	_ =	strace $0x9FFFFFFF  }
0xc9: {  	(tm) =	ssettm $0x7FFFFFFF  }
tec
execute0_lowered:
.L_overlay_start_1:
0x0: {  	(tag) =	ssettag $0x1  }
0x1: {  	s1 =	rddreg [dreg:$0x0]  }
0x2: {  	s2 =	rddreg [dreg:$0x1];
	s3 =	srdreg.scid  }
0x3: {  	s0 =	stileid.u32;
	s4 =	rddreg [dreg:$0x2];
	s15 =	simm.s32 $0xA00  }
0x4: {  	s16 =	simm.s32 $0x1200;
	s17 =	simm.s32 $0x1A00;
	s18 =	simm.s32 $0x2200  }
0x5: {  	s19 =	simm.s32 $0x2A00;
	s5 =	sand.u32 $0x1, s3;
	s3 =	simm.s32 $0x0  }
0x6: {  	s20 =	simm.s32 $0x3200;
	s22 =	simm.s32 $0x3A00;
	[smem:$0x7FF] =	sst s3  }
0x7: {  	s23 =	simm.s32 $0x4200;
	_ =	strace $0x80000047;
	[dreg:$0x6] =	wrdreg s15  }
0x8: {  	s24 =	simm.s32 $0x4A00;
	s25 =	simm.s32 $0x5200;
	[dreg:$0x7] =	wrdreg s16  }
0x9: {  	s26 =	simm.s32 $0x5A00;
	s8 =	simm.s32 $0x6A00;
	[dreg:$0x8] =	wrdreg s17  }
0xa: {  	s9 =	simm.s32 $0x7200;
	s10 =	simm.s32 $0x7A00;
	[dreg:$0x9] =	wrdreg s18  }
0xb: {  	s11 =	simm.s32 $0x8200;
	s12 =	simm.s32 $0x8A00;
	[dreg:$0xa] =	wrdreg s19  }
0xc: {  	s13 =	simm.s32 $0x9200;
	s28 =	simm.s32 $0x10200;
	[dreg:$0xb] =	wrdreg s20  }
0xd: {  	s29 =	simm.s32 $0x10A00;
	s30 =	simm.s32 $0x11200;
	[dreg:$0xc] =	wrdreg s22  }
0xe: {  	s31 =	simm.s32 $0x11A00;
	s6 =	sshll.u32 s0, $0x1;
	[dreg:$0xd] =	wrdreg s23  }
0xf: {  	s6 =	sor.u32 s5, s6;
	s21 =	ssub.s32 $0x2, s5;
	[dreg:$0xe] =	wrdreg s24  }
0x10: {  	s7 =	sshll.u32 s6, $0x6;
	s6 =	smul.u32 $0x2400, s6;
	[dreg:$0xf] =	wrdreg s25  }
0x11: {  	s5 =	sshrl.u32 s21, $0x1;
	[dreg:$0x10] =	wrdreg s26;
	s15 =	simm.s32 $0xA200  }
0x12: {  	s16 =	simm.s32 $0xAA00;
	s17 =	simm.s32 $0xB200;
	s18 =	simm.s32 $0xBA00  }
0x13: {  	s19 =	simm.s32 $0xC200;
	s20 =	simm.s32 $0xCA00;
	s22 =	simm.s32 $0xDA00  }
0x14: {  	s23 =	simm.s32 $0xE200;
	s24 =	simm.s32 $0xEA00;
	s2 =	sadd.s32 s2, s7  }
0x15: {  	s25 =	simm.s32 $0xF200;
	s26 =	simm.s32 $0xFA00;
	[dreg:$0x4] =	wrdreg s2  }
0x16: {  	v2 =	vlaneseq.u32;
	s14 =	sadd.s32 s4, s6;
	s4 =	ssub.s32 s21, s5;
	s5 =	simm.s32 $0x2  }
0x17: {  	vm0 =	vmmov $0xffff;
	v1 =	vshrl.u32 v2, $0x3;
	s6 =	simm.s32 $0x200;
	s21 =	simm.s32 $0xD200;
	s2 =	simm.s32 $0x1  }
0x18: {  	v0 =	vand.u32 $0x7, v2;
	v2 =	vor.u32 $0x8, v2;
	v1 =	vmul.u32 $0x8, v1;
	[dreg:$0x5] =	wrdreg s14;
	s4 =	smax.u32 s4, $0x1;
	s14 =	simm.s32 $0x9A00  }
.LBB2_1:
0x19: {  	s0 =	rddreg [dreg:$0x4]  }
0x1a: {  	[tilespmem:s3], [sflag:$0x2] =	stream.linear.gather [hbm4b:s0+s3], $0x180, $0x38;
	[tilespmem:$0x12200] =	vst v63  }
0x1b: {  	_ =	swait.ge [sflag:s5], $0x180  }
0x1c: {  	[sflag:s5] =	ssyncset.done $0x0  }
0x1d: {  	[sflag:s5] =	ssyncadd.s32 $0xFFFFFE80  }
0x1e: {  	v3 =	vld [tilespmem:$0x0];
	_ =	sdelay $0x4  }
0x1f: {  	v4 =	vshll.u32 v3, $0x1  }
0x20: {  	v3 =	vand.u32 $0x7, v3;
	v4 =	vand.u32 $0xFFFFFFF0, v4  }
0x21: {  	v3 =	vor.u32 v3, v4  }
0x22: {  	v4 =	vperm.xlane v3, v0;
	_ =	sdelay $0x1  }
0x23: {  	v3 =	vperm.xlane v3, v2;
	v4 =	vadd.s32 v1, v4;
	_ =	sdelay $0x1  }
0x24: {  	v3 =	vadd.s32 v1, v3;
	_ =	sdelay $0x2  }
0x25: {  	[tilespmem:s6], [sflag:$0x1] =	stream.indirect_vreg.gather [hbm4b:s1+s3], $0x80, v4, vm0, $0xb8;
	[tilespmem:$0x12200] =	vst v63  }
0x26: {  	s7 =	rddreg [dreg:$0x6]  }
0x27: {  	[tilespmem:s7], [sflag:$0x1] =	stream.indirect_vreg.gather [hbm4b:s1+s3], $0x80, v3, vm0, $0xb8;
	[tilespmem:$0x12200] =	vst v63  }
0x28: {  	v3 =	vld [tilespmem:$0x10];
	_ =	sdelay $0x4  }
0x29: {  	v47 =	vshll.u32 v3, $0x1  }
0x2a: {  	v3 =	vand.u32 $0x7, v3;
	v4 =	vand.u32 $0xFFFFFFF0, v47  }
0x2b: {  	v3 =	vor.u32 v3, v4  }
0x2c: {  	v4 =	vperm.xlane v3, v0;
	_ =	sdelay $0x1  }
0x2d: {  	v3 =	vperm.xlane v3, v2;
	v4 =	vadd.s32 v1, v4;
	_ =	sdelay $0x1  }
0x2e: {  	v3 =	vadd.s32 v1, v3;
	_ =	sdelay $0x1  }
0x2f: {  	s0 =	rddreg [dreg:$0x7]  }
0x30: {  	[tilespmem:s0], [sflag:$0x1] =	stream.indirect_vreg.gather [hbm4b:s1+s3], $0x80, v4, vm0, $0xb8;
	[tilespmem:$0x12200] =	vst v63  }
0x31: {  	s7 =	rddreg [dreg:$0x8]  }
0x32: {  	[tilespmem:s7], [sflag:$0x1] =	stream.indirect_vreg.gather [hbm4b:s1+s3], $0x80, v3, vm0, $0xb8;
	[tilespmem:$0x12200] =	vst v63  }
0x33: {  	v3 =	vld [tilespmem:$0x20];
	_ =	sdelay $0x4  }
0x34: {  	v48 =	vshll.u32 v3, $0x1  }
0x35: {  	v3 =	vand.u32 $0x7, v3;
	v4 =	vand.u32 $0xFFFFFFF0, v48  }
0x36: {  	v3 =	vor.u32 v3, v4  }
0x37: {  	v4 =	vperm.xlane v3, v0;
	_ =	sdelay $0x1  }
0x38: {  	v3 =	vperm.xlane v3, v2;
	v4 =	vadd.s32 v1, v4;
	_ =	sdelay $0x1  }
0x39: {  	v3 =	vadd.s32 v1, v3;
	_ =	sdelay $0x1  }
0x3a: {  	s0 =	rddreg [dreg:$0x9]  }
0x3b: {  	[tilespmem:s0], [sflag:$0x1] =	stream.indirect_vreg.gather [hbm4b:s1+s3], $0x80, v4, vm0, $0xb8;
	[tilespmem:$0x12200] =	vst v63  }
0x3c: {  	s7 =	rddreg [dreg:$0xa]  }
0x3d: {  	[tilespmem:s7], [sflag:$0x1] =	stream.indirect_vreg.gather [hbm4b:s1+s3], $0x80, v3, vm0, $0xb8;
	[tilespmem:$0x12200] =	vst v63  }
0x3e: {  	v3 =	vld [tilespmem:$0x30];
	_ =	sdelay $0x4  }
0x3f: {  	v49 =	vshll.u32 v3, $0x1  }
0x40: {  	v3 =	vand.u32 $0x7, v3;
	v4 =	vand.u32 $0xFFFFFFF0, v49  }
0x41: {  	v3 =	vor.u32 v3, v4  }
0x42: {  	v4 =	vperm.xlane v3, v0;
	_ =	sdelay $0x1  }
0x43: {  	v3 =	vperm.xlane v3, v2;
	v4 =	vadd.s32 v1, v4;
	_ =	sdelay $0x1  }
0x44: {  	v3 =	vadd.s32 v1, v3;
	_ =	sdelay $0x1  }
0x45: {  	s0 =	rddreg [dreg:$0xb]  }
0x46: {  	[tilespmem:s0], [sflag:$0x1] =	stream.indirect_vreg.gather [hbm4b:s1+s3], $0x80, v4, vm0, $0xb8;
	[tilespmem:$0x12200] =	vst v63  }
0x47: {  	s7 =	rddreg [dreg:$0xc]  }
0x48: {  	[tilespmem:s7], [sflag:$0x1] =	stream.indirect_vreg.gather [hbm4b:s1+s3], $0x80, v3, vm0, $0xb8;
	[tilespmem:$0x12200] =	vst v63  }
0x49: {  	v3 =	vld [tilespmem:$0x40];
	_ =	sdelay $0x4  }
0x4a: {  	v50 =	vshll.u32 v3, $0x1  }
0x4b: {  	v3 =	vand.u32 $0x7, v3;
	v4 =	vand.u32 $0xFFFFFFF0, v50  }
0x4c: {  	v3 =	vor.u32 v3, v4  }
0x4d: {  	v4 =	vperm.xlane v3, v0;
	_ =	sdelay $0x1  }
0x4e: {  	v3 =	vperm.xlane v3, v2;
	v4 =	vadd.s32 v1, v4;
	_ =	sdelay $0x1  }
0x4f: {  	v3 =	vadd.s32 v1, v3;
	_ =	sdelay $0x1  }
0x50: {  	s0 =	rddreg [dreg:$0xd]  }
0x51: {  	[tilespmem:s0], [sflag:$0x1] =	stream.indirect_vreg.gather [hbm4b:s1+s3], $0x80, v4, vm0, $0xb8;
	[tilespmem:$0x12200] =	vst v63  }
0x52: {  	s7 =	rddreg [dreg:$0xe]  }
0x53: {  	[tilespmem:s7], [sflag:$0x1] =	stream.indirect_vreg.gather [hbm4b:s1+s3], $0x80, v3, vm0, $0xb8;
	[tilespmem:$0x12200] =	vst v63  }
0x54: {  	v3 =	vld [tilespmem:$0x50];
	_ =	sdelay $0x4  }
0x55: {  	v51 =	vshll.u32 v3, $0x1  }
0x56: {  	v3 =	vand.u32 $0x7, v3;
	v4 =	vand.u32 $0xFFFFFFF0, v51  }
0x57: {  	v3 =	vor.u32 v3, v4  }
0x58: {  	v4 =	vperm.xlane v3, v0;
	_ =	sdelay $0x1  }
0x59: {  	v3 =	vperm.xlane v3, v2;
	v4 =	vadd.s32 v1, v4;
	_ =	sdelay $0x1  }
0x5a: {  	v3 =	vadd.s32 v1, v3;
	_ =	sdelay $0x1  }
0x5b: {  	s0 =	rddreg [dreg:$0xf]  }
0x5c: {  	[tilespmem:s0], [sflag:$0x1] =	stream.indirect_vreg.gather [hbm4b:s1+s3], $0x80, v4, vm0, $0xb8;
	[tilespmem:$0x12200] =	vst v63  }
0x5d: {  	s7 =	rddreg [dreg:$0x10]  }
0x5e: {  	[tilespmem:s7], [sflag:$0x1] =	stream.indirect_vreg.gather [hbm4b:s1+s3], $0x80, v3, vm0, $0xb8;
	[tilespmem:$0x12200] =	vst v63  }
0x5f: {  	v3 =	vld [tilespmem:$0x80];
	_ =	sdelay $0x4  }
0x60: {  	v52 =	vshll.u32 v3, $0x1  }
0x61: {  	v3 =	vand.u32 $0x7, v3;
	v4 =	vand.u32 $0xFFFFFFF0, v52  }
0x62: {  	v3 =	vor.u32 v3, v4  }
0x63: {  	v4 =	vperm.xlane v3, v0;
	_ =	sdelay $0x1  }
0x64: {  	v3 =	vperm.xlane v3, v2;
	v4 =	vadd.s32 v1, v4;
	_ =	sdelay $0x1  }
0x65: {  	v3 =	vadd.s32 v1, v3;
	_ =	sdelay $0x1  }
0x66: {  	s7 =	simm.s32 $0x6200  }
0x67: {  	[tilespmem:s7], [sflag:$0x1] =	stream.indirect_vreg.gather [hbm4b:s1+s3], $0x80, v4, vm0, $0xb8;
	[tilespmem:$0x12200] =	vst v63  }
0x68: {  	_ = 	snop  }
0x69: {  	[tilespmem:s8], [sflag:$0x1] =	stream.indirect_vreg.gather [hbm4b:s1+s3], $0x80, v3, vm0, $0xb8;
	[tilespmem:$0x12200] =	vst v63  }
0x6a: {  	v3 =	vld [tilespmem:$0x90];
	_ =	sdelay $0x4  }
0x6b: {  	v53 =	vshll.u32 v3, $0x1  }
0x6c: {  	v3 =	vand.u32 $0x7, v3;
	v4 =	vand.u32 $0xFFFFFFF0, v53  }
0x6d: {  	v3 =	vor.u32 v3, v4  }
0x6e: {  	v4 =	vperm.xlane v3, v0;
	_ =	sdelay $0x1  }
0x6f: {  	v3 =	vperm.xlane v3, v2;
	v4 =	vadd.s32 v1, v4;
	_ =	sdelay $0x1  }
0x70: {  	v3 =	vadd.s32 v1, v3;
	_ =	sdelay $0x2  }
0x71: {  	[tilespmem:s9], [sflag:$0x1] =	stream.indirect_vreg.gather [hbm4b:s1+s3], $0x80, v4, vm0, $0xb8;
	[tilespmem:$0x12200] =	vst v63  }
0x72: {  	_ = 	snop  }
0x73: {  	[tilespmem:s10], [sflag:$0x1] =	stream.indirect_vreg.gather [hbm4b:s1+s3], $0x80, v3, vm0, $0xb8;
	[tilespmem:$0x12200] =	vst v63  }
0x74: {  	v3 =	vld [tilespmem:$0xA0];
	_ =	sdelay $0x4  }
0x75: {  	v54 =	vshll.u32 v3, $0x1  }
0x76: {  	v3 =	vand.u32 $0x7, v3;
	v4 =	vand.u32 $0xFFFFFFF0, v54  }
0x77: {  	v3 =	vor.u32 v3, v4  }
0x78: {  	v4 =	vperm.xlane v3, v0;
	_ =	sdelay $0x1  }
0x79: {  	v3 =	vperm.xlane v3, v2;
	v4 =	vadd.s32 v1, v4;
	_ =	sdelay $0x1  }
0x7a: {  	v3 =	vadd.s32 v1, v3;
	_ =	sdelay $0x2  }
0x7b: {  	[tilespmem:s11], [sflag:$0x1] =	stream.indirect_vreg.gather [hbm4b:s1+s3], $0x80, v4, vm0, $0xb8;
	[tilespmem:$0x12200] =	vst v63  }
0x7c: {  	_ = 	snop  }
0x7d: {  	[tilespmem:s12], [sflag:$0x1] =	stream.indirect_vreg.gather [hbm4b:s1+s3], $0x80, v3, vm0, $0xb8;
	[tilespmem:$0x12200] =	vst v63  }
0x7e: {  	v3 =	vld [tilespmem:$0xB0];
	_ =	sdelay $0x4  }
0x7f: {  	v55 =	vshll.u32 v3, $0x1  }
0x80: {  	v3 =	vand.u32 $0x7, v3;
	v4 =	vand.u32 $0xFFFFFFF0, v55  }
0x81: {  	v3 =	vor.u32 v3, v4  }
0x82: {  	v4 =	vperm.xlane v3, v0;
	_ =	sdelay $0x1  }
0x83: {  	v3 =	vperm.xlane v3, v2;
	v4 =	vadd.s32 v1, v4;
	_ =	sdelay $0x1  }
0x84: {  	v3 =	vadd.s32 v1, v3;
	_ =	sdelay $0x2  }
0x85: {  	[tilespmem:s13], [sflag:$0x1] =	stream.indirect_vreg.gather [hbm4b:s1+s3], $0x80, v4, vm0, $0xb8;
	[tilespmem:$0x12200] =	vst v63  }
0x86: {  	_ = 	snop  }
0x87: {  	[tilespmem:s14], [sflag:$0x1] =	stream.indirect_vreg.gather [hbm4b:s1+s3], $0x80, v3, vm0, $0xb8;
	[tilespmem:$0x12200] =	vst v63  }
0x88: {  	v3 =	vld [tilespmem:$0xC0];
	_ =	sdelay $0x4  }
0x89: {  	v56 =	vshll.u32 v3, $0x1  }
0x8a: {  	v3 =	vand.u32 $0x7, v3;
	v4 =	vand.u32 $0xFFFFFFF0, v56  }
0x8b: {  	v3 =	vor.u32 v3, v4  }
0x8c: {  	v4 =	vperm.xlane v3, v0;
	_ =	sdelay $0x1  }
0x8d: {  	v3 =	vperm.xlane v3, v2;
	v4 =	vadd.s32 v1, v4;
	_ =	sdelay $0x1  }
0x8e: {  	v3 =	vadd.s32 v1, v3;
	_ =	sdelay $0x2  }
0x8f: {  	[tilespmem:s15], [sflag:$0x1] =	stream.indirect_vreg.gather [hbm4b:s1+s3], $0x80, v4, vm0, $0xb8;
	[tilespmem:$0x12200] =	vst v63  }
0x90: {  	_ = 	snop  }
0x91: {  	[tilespmem:s16], [sflag:$0x1] =	stream.indirect_vreg.gather [hbm4b:s1+s3], $0x80, v3, vm0, $0xb8;
	[tilespmem:$0x12200] =	vst v63  }
0x92: {  	v3 =	vld [tilespmem:$0xD0];
	_ =	sdelay $0x4  }
0x93: {  	v57 =	vshll.u32 v3, $0x1  }
0x94: {  	v3 =	vand.u32 $0x7, v3;
	v4 =	vand.u32 $0xFFFFFFF0, v57  }
0x95: {  	v3 =	vor.u32 v3, v4  }
0x96: {  	v4 =	vperm.xlane v3, v0;
	_ =	sdelay $0x1  }
0x97: {  	v3 =	vperm.xlane v3, v2;
	v4 =	vadd.s32 v1, v4;
	_ =	sdelay $0x1  }
0x98: {  	v3 =	vadd.s32 v1, v3;
	_ =	sdelay $0x2  }
0x99: {  	[tilespmem:s17], [sflag:$0x1] =	stream.indirect_vreg.gather [hbm4b:s1+s3], $0x80, v4, vm0, $0xb8;
	[tilespmem:$0x12200] =	vst v63  }
0x9a: {  	_ = 	snop  }
0x9b: {  	[tilespmem:s18], [sflag:$0x1] =	stream.indirect_vreg.gather [hbm4b:s1+s3], $0x80, v3, vm0, $0xb8;
	[tilespmem:$0x12200] =	vst v63  }
0x9c: {  	v3 =	vld [tilespmem:$0x100];
	_ =	sdelay $0x4  }
0x9d: {  	v58 =	vshll.u32 v3, $0x1  }
0x9e: {  	v3 =	vand.u32 $0x7, v3;
	v4 =	vand.u32 $0xFFFFFFF0, v58  }
0x9f: {  	v3 =	vor.u32 v3, v4  }
0xa0: {  	v4 =	vperm.xlane v3, v0;
	_ =	sdelay $0x1  }
0xa1: {  	v3 =	vperm.xlane v3, v2;
	v4 =	vadd.s32 v1, v4;
	_ =	sdelay $0x1  }
0xa2: {  	v3 =	vadd.s32 v1, v3;
	_ =	sdelay $0x2  }
0xa3: {  	[tilespmem:s19], [sflag:$0x1] =	stream.indirect_vreg.gather [hbm4b:s1+s3], $0x80, v4, vm0, $0xb8;
	[tilespmem:$0x12200] =	vst v63  }
0xa4: {  	_ = 	snop  }
0xa5: {  	[tilespmem:s20], [sflag:$0x1] =	stream.indirect_vreg.gather [hbm4b:s1+s3], $0x80, v3, vm0, $0xb8;
	[tilespmem:$0x12200] =	vst v63  }
0xa6: {  	v3 =	vld [tilespmem:$0x110];
	_ =	sdelay $0x4  }
0xa7: {  	v59 =	vshll.u32 v3, $0x1  }
0xa8: {  	v3 =	vand.u32 $0x7, v3;
	v4 =	vand.u32 $0xFFFFFFF0, v59  }
0xa9: {  	v3 =	vor.u32 v3, v4  }
0xaa: {  	v4 =	vperm.xlane v3, v0;
	_ =	sdelay $0x1  }
0xab: {  	v3 =	vperm.xlane v3, v2;
	v4 =	vadd.s32 v1, v4;
	_ =	sdelay $0x1  }
0xac: {  	v3 =	vadd.s32 v1, v3;
	_ =	sdelay $0x2  }
0xad: {  	[tilespmem:s21], [sflag:$0x1] =	stream.indirect_vreg.gather [hbm4b:s1+s3], $0x80, v4, vm0, $0xb8;
	[tilespmem:$0x12200] =	vst v63  }
0xae: {  	_ = 	snop  }
0xaf: {  	[tilespmem:s22], [sflag:$0x1] =	stream.indirect_vreg.gather [hbm4b:s1+s3], $0x80, v3, vm0, $0xb8;
	[tilespmem:$0x12200] =	vst v63  }
0xb0: {  	v3 =	vld [tilespmem:$0x120];
	_ =	sdelay $0x4  }
0xb1: {  	v60 =	vshll.u32 v3, $0x1  }
0xb2: {  	v3 =	vand.u32 $0x7, v3;
	v4 =	vand.u32 $0xFFFFFFF0, v60  }
0xb3: {  	v3 =	vor.u32 v3, v4  }
0xb4: {  	v4 =	vperm.xlane v3, v0;
	_ =	sdelay $0x1  }
0xb5: {  	v3 =	vperm.xlane v3, v2;
	v4 =	vadd.s32 v1, v4;
	_ =	sdelay $0x1  }
0xb6: {  	v3 =	vadd.s32 v1, v3;
	_ =	sdelay $0x2  }
0xb7: {  	[tilespmem:s23], [sflag:$0x1] =	stream.indirect_vreg.gather [hbm4b:s1+s3], $0x80, v4, vm0, $0xb8;
	[tilespmem:$0x12200] =	vst v63  }
0xb8: {  	_ = 	snop  }
0xb9: {  	[tilespmem:s24], [sflag:$0x1] =	stream.indirect_vreg.gather [hbm4b:s1+s3], $0x80, v3, vm0, $0xb8;
	[tilespmem:$0x12200] =	vst v63  }
0xba: {  	v3 =	vld [tilespmem:$0x130];
	_ =	sdelay $0x4  }
0xbb: {  	v61 =	vshll.u32 v3, $0x1  }
0xbc: {  	v3 =	vand.u32 $0x7, v3;
	v4 =	vand.u32 $0xFFFFFFF0, v61  }
0xbd: {  	v3 =	vor.u32 v3, v4  }
0xbe: {  	v4 =	vperm.xlane v3, v0;
	_ =	sdelay $0x1  }
0xbf: {  	v3 =	vperm.xlane v3, v2;
	v4 =	vadd.s32 v1, v4;
	_ =	sdelay $0x1  }
0xc0: {  	v3 =	vadd.s32 v1, v3;
	_ =	sdelay $0x2  }
0xc1: {  	[tilespmem:s25], [sflag:$0x1] =	stream.indirect_vreg.gather [hbm4b:s1+s3], $0x80, v4, vm0, $0xb8;
	[tilespmem:$0x12200] =	vst v63  }
0xc2: {  	_ = 	snop  }
0xc3: {  	[tilespmem:s26], [sflag:$0x1] =	stream.indirect_vreg.gather [hbm4b:s1+s3], $0x80, v3, vm0, $0xb8;
	[tilespmem:$0x12200] =	vst v63  }
0xc4: {  	v3 =	vld [tilespmem:$0x140];
	_ =	sdelay $0x4  }
0xc5: {  	v62 =	vshll.u32 v3, $0x1  }
0xc6: {  	v3 =	vand.u32 $0x7, v3;
	v4 =	vand.u32 $0xFFFFFFF0, v62  }
0xc7: {  	v3 =	vor.u32 v3, v4  }
0xc8: {  	v4 =	vperm.xlane v3, v0;
	_ =	sdelay $0x1  }
0xc9: {  	v3 =	vperm.xlane v3, v2;
	v4 =	vadd.s32 v1, v4;
	_ =	sdelay $0x1  }
0xca: {  	v3 =	vadd.s32 v1, v3;
	_ =	sdelay $0x2  }
0xcb: {  	[tilespmem:s28], [sflag:$0x1] =	stream.indirect_vreg.gather [hbm4b:s1+s3], $0x80, v4, vm0, $0xb8;
	[tilespmem:$0x12200] =	vst v63  }
0xcc: {  	_ = 	snop  }
0xcd: {  	[tilespmem:s29], [sflag:$0x1] =	stream.indirect_vreg.gather [hbm4b:s1+s3], $0x80, v3, vm0, $0xb8;
	[tilespmem:$0x12200] =	vst v63  }
0xce: {  	v3 =	vld [tilespmem:$0x150];
	_ =	sdelay $0x4  }
0xcf: {  	v63 =	vshll.u32 v3, $0x1  }
0xd0: {  	v3 =	vand.u32 $0x7, v3;
	v4 =	vand.u32 $0xFFFFFFF0, v63  }
0xd1: {  	v3 =	vor.u32 v3, v4  }
0xd2: {  	v4 =	vperm.xlane v3, v0;
	_ =	sdelay $0x1  }
0xd3: {  	v3 =	vperm.xlane v3, v2;
	v4 =	vadd.s32 v1, v4;
	_ =	sdelay $0x1  }
0xd4: {  	v3 =	vadd.s32 v1, v3;
	_ =	sdelay $0x2  }
0xd5: {  	[tilespmem:s30], [sflag:$0x1] =	stream.indirect_vreg.gather [hbm4b:s1+s3], $0x80, v4, vm0, $0xb8;
	[tilespmem:$0x12200] =	vst v63  }
0xd6: {  	_ = 	snop  }
0xd7: {  	[tilespmem:s31], [sflag:$0x1] =	stream.indirect_vreg.gather [hbm4b:s1+s3], $0x80, v3, vm0, $0xb8;
	[tilespmem:$0x12200] =	vst v63  }
0xd8: {  	_ =	swait.ge [sflag:s2], $0x6000  }
0xd9: {  	[sflag:s2] =	ssyncset.done $0x0  }
0xda: {  	[sflag:s2] =	ssyncadd.s32 $0xFFFFA000  }
0xdb: {  	_ =	swait.ge [sflag:s2], $0x6000  }
0xdc: {  	[sflag:s2] =	ssyncset.done $0x0  }
0xdd: {  	[sflag:s2] =	ssyncadd.s32 $0xFFFFA000  }
0xde: {  	_ =	swait.ge [sflag:s2], $0x6000  }
0xdf: {  	p0 =	sne.s32 s4, $0x1;
	[sflag:s2] =	ssyncset.done $0x0  }
.Ltmp0:
0xe0: {  	s7 =	rddreg [dreg:$0x5];
	[sflag:s2] =	ssyncadd.s32 $0xFFFFA000;
	(pc) =	sbr.rel @p0 .LBB2_1-.Ltmp0, $4  }
0xe1: {  	[hbm4b:s7+s3] =	stream.linear.scatter [tilespmem:s6], [sflag:$0x2], $0x12000, $0x38;
	[tilespmem:$0x12200] =	vst v63  }
0xe2: {  	_ =	swait.ge [sflag:s5], $0x12000  }
0xe3: {  	[sflag:s5] =	ssyncset.done $0x0  }
0xe4: {  	s4 =	sadd.s32 $0xFFFFFFFF, s4;
	[sflag:s5] =	ssyncadd.s32 $0xFFFEE000  }
0xe5: {  	_ =	sfence.sel $0x180000  }
0xe6: {  	[bflag:$0x0] =	sbarrier.arrive $0xFFFF  }
0xe7: {  	_ =	strace $0x90000047  }
0xe8: {  	s0 =	stileid.u32;
	[bflag:$0x2] =	sbarrier.arrive $0xFFFF  }
0xe9: {  	p0 =	sne.s32 s0, $0x0;
	s0 =	rddreg [dreg:$0x3]  }
0xea: {  	s0 =	sadd.s32 @!p0 $0x100000, s0  }
0xeb: {  	[sflag:s0] =	ssyncadd.tile.s32 @!p0 $0x1;
	_ =	shalt  }
.Lfunc_end2:
_tile_overlayer_lowered:
.L_overlay_start_2:
0xec: {  	(tag) =	ssettag $0x2  }
0xed: {  	s0 =	rddreg [dreg:$0x0];
	s2 =	stileid.u32  }
0xee: {  	s1 =	rddreg [dreg:$0x1];
	p0 =	sne.s32 s2, $0x0  }
0xef: {  	s3 =	rddreg [dreg:$0x2];
	[bflag:$0x3] =	sbarrier.arrive $0xFFFF;
	s2 =	simm.s32 @!p0 $0x1C02  }
0xf0: {  	[timem:s3], [sflag:s2] =	dma.local @!p0 [hbm:s0], s1  }
0xf1: {  	s0 =	simm.s32 @!p0 $0x2  }
0xf2: {  	_ =	swait.ge @!p0 [sflag:s0], s1  }
0xf3: {  	s1 =	ssub.s32 @!p0 $0x0, s1;
	[sflag:s0] =	ssyncset.done @!p0 $0x0  }
0xf4: {  	[sflag:s0] =	ssyncadd.s32 @!p0 s1  }
0xf5: {  	[bflag:$0x3] =	sbarrier.arrive $0xFFFF  }
0xf6: {  	_ =	shalt  }

</sc_bundles>
